<compile_context>
chip_gen: v7x
topology: tpu7x:2x2x1
jax: 0.10.2.dev20260603
libtpu: 0.0.44.dev20260713+nightly
codegen_flags: <defaults>
</compile_context>

<pallas_src>
import functools

import jax
import jax.numpy as jnp
from jax import lax
from jax.experimental import pallas as pl
from jax.experimental.pallas import tpu as pltpu
from jax.experimental.pallas import tpu_sc as plsc



@functools.lru_cache(maxsize=None)
def _make_gather(NT, D, NBLK, B):
    info = plsc.get_sparse_core_info()
    NC, NS = info.num_cores, info.num_subcores
    NW = NC * NS
    assert B % NW == 0
    bpw = B // NW
    mesh = plsc.VectorSubcoreMesh(core_axis_name="c", subcore_axis_name="s")

    @functools.partial(
        pl.kernel,
        mesh=mesh,
        out_type=[jax.ShapeDtypeStruct((B, 128), jnp.float32),
                  jax.ShapeDtypeStruct((B, 128), jnp.float32)],
        scratch_types=[
            pltpu.VMEM((bpw,), jnp.int32),
            pltpu.VMEM((bpw,), jnp.int32),
            pltpu.VMEM((bpw,), jnp.int32),
            pltpu.VMEM((bpw, 128), jnp.float32),
            pltpu.SemaphoreType.DMA,
        ],
    )
    def gather(ids_hbm, emb2_hbm, biasblk_hbm, emb_out, blk_out,
               idx_v, shift_v, bshift_v, rows_v, sem):
        wid = lax.axis_index("s") * NC + lax.axis_index("c")
        base = wid * bpw
        pltpu.sync_copy(ids_hbm.at[pl.ds(base, bpw)], idx_v)
        for g in range(bpw // 16):
            sl = pl.ds(g * 16, 16)
            u = idx_v[sl]
            shift_v[sl] = ((u >> 14) << 12) | (u & 4095)
            bshift_v[sl] = u >> 7
        pltpu.async_copy(emb2_hbm.at[shift_v], rows_v, sem).wait()
        pltpu.sync_copy(rows_v, emb_out.at[pl.ds(base, bpw)])
        pltpu.async_copy(biasblk_hbm.at[bshift_v], rows_v, sem).wait()
        pltpu.sync_copy(rows_v, blk_out.at[pl.ds(base, bpw)])

    return gather



def _transpose_body(xt_ref, bt_ref, out_ref, blk_ref):
    b = bt_ref[...]
    blk_ref[...] = jnp.concatenate(
        [b[:, 128 * r:128 * (r + 1)] for r in range(blk_ref.shape[0])],
        axis=0)
    t = jnp.transpose(xt_ref[...], (1, 0))
    q = t.shape[0] // 4
    u = lax.bitcast_convert_type(t, jnp.uint32)
    r = (u + jnp.uint32(0x8000)) >> 16
    lo = r[:q] | (r[q:2 * q] << 16)
    hi = r[2 * q:3 * q] | (r[3 * q:] << 16)
    out_ref[...] = lax.bitcast_convert_type(
        jnp.concatenate([lo, hi], axis=1), jnp.float32)


@functools.lru_cache(maxsize=None)
def _make_transpose(V, D, CH):
    grid = ((V + CH - 1) // CH,)
    return pl.pallas_call(
        _transpose_body,
        grid=grid,
        in_specs=[pl.BlockSpec((D, CH), lambda i: (0, i)),
                  pl.BlockSpec((1, CH), lambda i: (0, i))],
        out_specs=[pl.BlockSpec((CH // 4, 2 * D), lambda i: (i, 0)),
                   pl.BlockSpec((CH // 128, 128), lambda i: (i, 0))],
        out_shape=[jax.ShapeDtypeStruct((grid[0] * (CH // 4), 2 * D),
                                        jnp.float32),
                   jax.ShapeDtypeStruct((grid[0] * (CH // 128), 128),
                                        jnp.float32)],
    )



def _combine_body(x_ref, w1_ref, b1_ref, w2_ref, b2_ref, w3_ref, b3_ref,
                  rows_ref, blk_ref, ids_ref, out_ref, wc_ref, bc_ref):
    @pl.when(pl.program_id(0) == 0)
    def _():
        w12 = jnp.dot(w1_ref[...], w2_ref[...],
                      preferred_element_type=jnp.float32)
        wc_ref[...] = jnp.dot(w12, w3_ref[...],
                              preferred_element_type=jnp.float32)
        t = jnp.dot(b1_ref[...], w2_ref[...],
                    preferred_element_type=jnp.float32) + b2_ref[...]
        bc_ref[...] = jnp.dot(t, w3_ref[...],
                              preferred_element_type=jnp.float32) + b3_ref[...]

    ids = ids_ref[...]
    rows_u = lax.bitcast_convert_type(rows_ref[...], jnp.uint32)
    words = jnp.where(((ids >> 13) & 1) == 1,
                      rows_u[:, 64:], rows_u[:, :64])
    bits = jnp.where(((ids >> 12) & 1) == 1,
                     words & jnp.uint32(0xFFFF0000), words << 16)
    emb = lax.bitcast_convert_type(bits, jnp.float32)
    pos = ids & 127
    onehot = lax.broadcasted_iota(jnp.int32, blk_ref.shape, 1) == pos
    bias = jnp.sum(jnp.where(onehot, blk_ref[...], 0.0), axis=1, keepdims=True)

    rf = jnp.dot(x_ref[...], wc_ref[...],
                 preferred_element_type=jnp.float32) + bc_ref[...]
    s = jnp.sum(rf * emb, axis=1, keepdims=True) + bias
    out_ref[...] = jnp.transpose(jax.nn.sigmoid(s), (1, 0))


@functools.lru_cache(maxsize=None)
def _make_combine(B, F, H1, H2, D, BLK):
    grid = (B // BLK,)
    return pl.pallas_call(
        _combine_body,
        grid=grid,
        in_specs=[
            pl.BlockSpec((BLK, F), lambda i: (i, 0)),
            pl.BlockSpec((F, H1), lambda i: (0, 0)),
            pl.BlockSpec((1, H1), lambda i: (0, 0)),
            pl.BlockSpec((H1, H2), lambda i: (0, 0)),
            pl.BlockSpec((1, H2), lambda i: (0, 0)),
            pl.BlockSpec((H2, D), lambda i: (0, 0)),
            pl.BlockSpec((1, D), lambda i: (0, 0)),
            pl.BlockSpec((BLK, 128), lambda i: (i, 0)),
            pl.BlockSpec((BLK, 128), lambda i: (i, 0)),
            pl.BlockSpec((BLK, 1), lambda i: (i, 0)),
        ],
        out_specs=pl.BlockSpec((1, BLK), lambda i: (0, i)),
        out_shape=jax.ShapeDtypeStruct((1, B), jnp.float32),
        scratch_shapes=[
            pltpu.VMEM((F, D), jnp.float32),
            pltpu.VMEM((1, D), jnp.float32),
        ],
    )


def kernel(user_ids, restaurant_features, user_emb_table, user_bias_table,
           W1, b1, W2, b2, W3, b3):
    B, F = restaurant_features.shape
    V, D = user_emb_table.shape
    H1 = W1.shape[1]
    H2 = W2.shape[1]
    assert D == 64 and B % 256 == 0

    ids = user_ids.reshape(B).astype(jnp.int32)
    emb2, biasblk = _make_transpose(V, D, 16384)(user_emb_table.T,
                                                 user_bias_table.T)
    rows, blk = _make_gather(V // 2, D, 0, B)(ids, emb2, biasblk)

    out = _make_combine(B, F, H1, H2, D, 2048)(
        restaurant_features, W1, b1.reshape(1, H1), W2, b2.reshape(1, H2),
        W3, b3.reshape(1, D), rows, blk, user_ids.astype(jnp.int32))
    return out.T

# --- scband reference (transcript-rebuilt; emitter-appended) ---
"""Pipeline reference for scband-recommender-net3-53291954209049 (READ-ONLY COPY).

The authoritative reference and input builder live on the scoring server;
editing this copy changes nothing except your own understanding.
"""

import jax, jax.numpy as jnp
import numpy as np

NUM_USERS = 1000000
EMBED_DIM = 64
BATCH = 16384
FEAT_DIM = 256


def setup_inputs(seed: int = 0) -> dict:
    key = jax.random.key(seed)
    ks = jax.random.split(key, 10)
    user_ids = jax.random.randint(ks[0], (BATCH, 1), 0, NUM_USERS, dtype=jnp.int64 if jax.config.jax_enable_x64 else jnp.int32)
    restaurant_features = jax.random.normal(ks[1], (BATCH, FEAT_DIM), dtype=jnp.float32)
    # learned parameters
    user_emb_table = jax.random.normal(ks[2], (NUM_USERS, EMBED_DIM), dtype=jnp.float32) * (2.0 / EMBED_DIM) ** 0.5  # he_normal-ish
    user_bias_table = jax.random.normal(ks[3], (NUM_USERS, 1), dtype=jnp.float32) * 0.01
    W1 = jax.random.normal(ks[4], (FEAT_DIM, 512), dtype=jnp.float32) * (1.0 / FEAT_DIM) ** 0.5
    b1 = jnp.zeros((512,), dtype=jnp.float32)
    W2 = jax.random.normal(ks[5], (512, 256), dtype=jnp.float32) * (1.0 / 512) ** 0.5
    b2 = jnp.zeros((256,), dtype=jnp.float32)
    W3 = jax.random.normal(ks[6], (256, EMBED_DIM), dtype=jnp.float32) * (1.0 / 256) ** 0.5
    b3 = jnp.zeros((EMBED_DIM,), dtype=jnp.float32)
    return {
        "user_ids": user_ids,
        "restaurant_features": restaurant_features,
        "user_emb_table": user_emb_table,
        "user_bias_table": user_bias_table,
        "W1": W1, "b1": b1, "W2": W2, "b2": b2, "W3": W3, "b3": b3,
    }


def reference(user_ids, restaurant_features, user_emb_table, user_bias_table, W1, b1, W2, b2, W3, b3):
    # user_vector = squeeze(Embedding(user_ids))  : [B,1] -> [B,1,D] -> [B,D]
    user_vector = jnp.squeeze(jnp.take(user_emb_table, user_ids, axis=0))
    # user_bias = Embedding_bias(user_ids) : [B,1,1]; rank > 1 -> squeeze axis=1 -> [B,1]
    user_bias = jnp.take(user_bias_table, user_ids, axis=0)
    user_bias = jnp.squeeze(user_bias, axis=1)
    # restaurant dense tower (linear activations, as in the Keras model)
    rf = restaurant_features @ W1 + b1
    rf = rf @ W2 + b2
    rf = rf @ W3 + b3
    dot_user_restaurant = jnp.sum(user_vector * rf, axis=1, keepdims=True)
    x = dot_user_restaurant + user_bias
    return jax.nn.sigmoid(x)

if __name__ == "__main__":
    import jax
    _d = setup_inputs()
    print(jax.jit(kernel)(*tuple(_d.values())))

</pallas_src>

<mosaic_0001>
#map = affine_map<(d0, d1) -> (0)>
#map1 = affine_map<(d0, d1) -> (0, 0)>
module attributes {stable_mosaic.version = 14 : i64} {
  func.func @gather(%arg0: i32, %arg1: i32, %arg2: memref<16384xi32, #tpu.memory_space<hbm>>, %arg3: memref<253952x128xf32, #tpu.memory_space<hbm>>, %arg4: memref<7936x128xf32, #tpu.memory_space<hbm>>, %arg5: memref<16384x128xf32, #tpu.memory_space<hbm>>, %arg6: memref<16384x128xf32, #tpu.memory_space<hbm>>, %arg7: memref<512xi32, #tpu.memory_space<vmem>>, %arg8: memref<512xi32, #tpu.memory_space<vmem>>, %arg9: memref<512xi32, #tpu.memory_space<vmem>>, %arg10: memref<512x128xf32, #tpu.memory_space<vmem>>, %arg11: memref<!tpu.dma_semaphore, #tpu.memory_space<semaphore_mem>>) attributes {dimension_semantics = [#tpu.dimension_semantics<core_parallel>, #tpu.dimension_semantics<subcore_parallel>], iteration_bounds = array<i64: 2, 16>, scalar_prefetch = 0 : i64, scratch_operands = 5 : i64, tpu.core_type = #tpu.core_type<sc_vector_subcore>, window_params = [{transform_indices = #map}, {transform_indices = #map1}, {transform_indices = #map1}, {transform_indices = #map1}, {transform_indices = #map1}]} {
    %mul3A = arith.constant 2 : i32
    %mul3A_0 = arith.muli %arg1, %mul3A : i32
    %add3A = arith.addi %mul3A_0, %arg0 : i32
    %mul3A_1 = arith.constant 512 : i32
    %mul3A_2 = arith.muli %add3A, %mul3A_1 : i32
    "tpu.region"() ({
      %run_scoped3A = tpu.sem_alloc : memref<!tpu.dma_semaphore, #tpu.memory_space<semaphore_mem>>
      %dma_start3A_775 = tpu.memref_slice %arg2[%mul3A_2] : memref<16384xi32, #tpu.memory_space<hbm>> -> memref<512xi32, #tpu.memory_space<hbm>>
      %dma_start3A_776 = tpu.memref_slice %arg2[%mul3A_2] : memref<16384xi32, #tpu.memory_space<hbm>> -> memref<512xi32, #tpu.memory_space<hbm>>
      tpu.enqueue_dma source(%dma_start3A_776 : memref<512xi32, #tpu.memory_space<hbm>>) target(%arg7 : memref<512xi32, #tpu.memory_space<vmem>>) target_semaphore(%run_scoped3A : memref<!tpu.dma_semaphore, #tpu.memory_space<semaphore_mem>>)
      %dma_wait3A_777 = tpu.memref_slice %arg2[%mul3A_2] : memref<16384xi32, #tpu.memory_space<hbm>> -> memref<512xi32, #tpu.memory_space<hbm>>
      %dma_wait3A_778 = tpu.memref_slice %arg2[%mul3A_2] : memref<16384xi32, #tpu.memory_space<hbm>> -> memref<512xi32, #tpu.memory_space<hbm>>
      tpu.wait_dma2 semaphore(%run_scoped3A : memref<!tpu.dma_semaphore, #tpu.memory_space<semaphore_mem>>) src(%dma_wait3A_778 : memref<512xi32, #tpu.memory_space<hbm>>) dst(%arg7 : memref<512xi32, #tpu.memory_space<vmem>>)
      tpu.yield
    }) : () -> ()
    %get3A = arith.constant 0 : index
    %get3A_3 = tpu.vector_load %arg7[%get3A] {strides = array<i32>} : memref<512xi32, #tpu.memory_space<vmem>>, vector<16xi32>,
    %get3A_4 = vector.shape_cast %get3A_3 : vector<16xi32> to vector<16xi32>
    %shift_right_arithmetic3A = arith.constant 14 : i32
    %shift_right_arithmetic3A_5 = vector.broadcast %shift_right_arithmetic3A : i32 to vector<16xi32>
    %shift_right_arithmetic3A_6 = arith.shrsi %get3A_4, %shift_right_arithmetic3A_5 : vector<16xi32>
    %shift_left3A = arith.constant 12 : i32
    %shift_left3A_7 = vector.broadcast %shift_left3A : i32 to vector<16xi32>
    %shift_left3A_8 = arith.shli %shift_right_arithmetic3A_6, %shift_left3A_7 : vector<16xi32>
    %and3A = arith.constant 4095 : i32
    %and3A_9 = vector.broadcast %and3A : i32 to vector<16xi32>
    %and3A_10 = arith.andi %get3A_4, %and3A_9 : vector<16xi32>
    %or3A = arith.ori %shift_left3A_8, %and3A_10 : vector<16xi32>
    %swap3A = arith.constant 0 : index
    %swap3A_11 = tpu.vector_load %arg8[%swap3A] {strides = array<i32>} : memref<512xi32, #tpu.memory_space<vmem>>, vector<16xi32>,
    %swap3A_12 = vector.shape_cast %swap3A_11 : vector<16xi32> to vector<16xi32>
    %swap3A_13 = vector.shape_cast %or3A : vector<16xi32> to vector<16xi32>
    tpu.vector_store %arg8[%swap3A], %swap3A_13 {strides = array<i32>} : memref<512xi32, #tpu.memory_space<vmem>>, vector<16xi32>,
    %shift_right_arithmetic3A_14 = arith.constant 7 : i32
    %shift_right_arithmetic3A_15 = vector.broadcast %shift_right_arithmetic3A_14 : i32 to vector<16xi32>
    %shift_right_arithmetic3A_16 = arith.shrsi %get3A_4, %shift_right_arithmetic3A_15 : vector<16xi32>
    %swap3A_17 = arith.constant 0 : index
    %swap3A_18 = tpu.vector_load %arg9[%swap3A_17] {strides = array<i32>} : memref<512xi32, #tpu.memory_space<vmem>>, vector<16xi32>,
    %swap3A_19 = vector.shape_cast %swap3A_18 : vector<16xi32> to vector<16xi32>
    %swap3A_20 = vector.shape_cast %shift_right_arithmetic3A_16 : vector<16xi32> to vector<16xi32>
    tpu.vector_store %arg9[%swap3A_17], %swap3A_20 {strides = array<i32>} : memref<512xi32, #tpu.memory_space<vmem>>, vector<16xi32>,
    %get3A_21 = arith.constant 16 : index
    %get3A_22 = tpu.vector_load %arg7[%get3A_21] {strides = array<i32>} : memref<512xi32, #tpu.memory_space<vmem>>, vector<16xi32>,
    %get3A_23 = vector.shape_cast %get3A_22 : vector<16xi32> to vector<16xi32>
    %shift_right_arithmetic3A_24 = arith.constant 14 : i32
    %shift_right_arithmetic3A_25 = vector.broadcast %shift_right_arithmetic3A_24 : i32 to vector<16xi32>
    %shift_right_arithmetic3A_26 = arith.shrsi %get3A_23, %shift_right_arithmetic3A_25 : vector<16xi32>
    %shift_left3A_27 = arith.constant 12 : i32
    %shift_left3A_28 = vector.broadcast %shift_left3A_27 : i32 to vector<16xi32>
    %shift_left3A_29 = arith.shli %shift_right_arithmetic3A_26, %shift_left3A_28 : vector<16xi32>
    %and3A_30 = arith.constant 4095 : i32
    %and3A_31 = vector.broadcast %and3A_30 : i32 to vector<16xi32>
    %and3A_32 = arith.andi %get3A_23, %and3A_31 : vector<16xi32>
    %or3A_33 = arith.ori %shift_left3A_29, %and3A_32 : vector<16xi32>
    %swap3A_34 = arith.constant 16 : index
    %swap3A_35 = tpu.vector_load %arg8[%swap3A_34] {strides = array<i32>} : memref<512xi32, #tpu.memory_space<vmem>>, vector<16xi32>,
    %swap3A_36 = vector.shape_cast %swap3A_35 : vector<16xi32> to vector<16xi32>
    %swap3A_37 = vector.shape_cast %or3A_33 : vector<16xi32> to vector<16xi32>
    tpu.vector_store %arg8[%swap3A_34], %swap3A_37 {strides = array<i32>} : memref<512xi32, #tpu.memory_space<vmem>>, vector<16xi32>,
    %shift_right_arithmetic3A_38 = arith.constant 7 : i32
    %shift_right_arithmetic3A_39 = vector.broadcast %shift_right_arithmetic3A_38 : i32 to vector<16xi32>
    %shift_right_arithmetic3A_40 = arith.shrsi %get3A_23, %shift_right_arithmetic3A_39 : vector<16xi32>
    %swap3A_41 = arith.constant 16 : index
    %swap3A_42 = tpu.vector_load %arg9[%swap3A_41] {strides = array<i32>} : memref<512xi32, #tpu.memory_space<vmem>>, vector<16xi32>,
    %swap3A_43 = vector.shape_cast %swap3A_42 : vector<16xi32> to vector<16xi32>
    %swap3A_44 = vector.shape_cast %shift_right_arithmetic3A_40 : vector<16xi32> to vector<16xi32>
    tpu.vector_store %arg9[%swap3A_41], %swap3A_44 {strides = array<i32>} : memref<512xi32, #tpu.memory_space<vmem>>, vector<16xi32>,
    %get3A_45 = arith.constant 32 : index
    %get3A_46 = tpu.vector_load %arg7[%get3A_45] {strides = array<i32>} : memref<512xi32, #tpu.memory_space<vmem>>, vector<16xi32>,
    %get3A_47 = vector.shape_cast %get3A_46 : vector<16xi32> to vector<16xi32>
    %shift_right_arithmetic3A_48 = arith.constant 14 : i32
    %shift_right_arithmetic3A_49 = vector.broadcast %shift_right_arithmetic3A_48 : i32 to vector<16xi32>
    %shift_right_arithmetic3A_50 = arith.shrsi %get3A_47, %shift_right_arithmetic3A_49 : vector<16xi32>
    %shift_left3A_51 = arith.constant 12 : i32
    %shift_left3A_52 = vector.broadcast %shift_left3A_51 : i32 to vector<16xi32>
    %shift_left3A_53 = arith.shli %shift_right_arithmetic3A_50, %shift_left3A_52 : vector<16xi32>
    %and3A_54 = arith.constant 4095 : i32
    %and3A_55 = vector.broadcast %and3A_54 : i32 to vector<16xi32>
    %and3A_56 = arith.andi %get3A_47, %and3A_55 : vector<16xi32>
    %or3A_57 = arith.ori %shift_left3A_53, %and3A_56 : vector<16xi32>
    %swap3A_58 = arith.constant 32 : index
    %swap3A_59 = tpu.vector_load %arg8[%swap3A_58] {strides = array<i32>} : memref<512xi32, #tpu.memory_space<vmem>>, vector<16xi32>,
    %swap3A_60 = vector.shape_cast %swap3A_59 : vector<16xi32> to vector<16xi32>
    %swap3A_61 = vector.shape_cast %or3A_57 : vector<16xi32> to vector<16xi32>
    tpu.vector_store %arg8[%swap3A_58], %swap3A_61 {strides = array<i32>} : memref<512xi32, #tpu.memory_space<vmem>>, vector<16xi32>,
    %shift_right_arithmetic3A_62 = arith.constant 7 : i32
    %shift_right_arithmetic3A_63 = vector.broadcast %shift_right_arithmetic3A_62 : i32 to vector<16xi32>
    %shift_right_arithmetic3A_64 = arith.shrsi %get3A_47, %shift_right_arithmetic3A_63 : vector<16xi32>
    %swap3A_65 = arith.constant 32 : index
    %swap3A_66 = tpu.vector_load %arg9[%swap3A_65] {strides = array<i32>} : memref<512xi32, #tpu.memory_space<vmem>>, vector<16xi32>,
    %swap3A_67 = vector.shape_cast %swap3A_66 : vector<16xi32> to vector<16xi32>
    %swap3A_68 = vector.shape_cast %shift_right_arithmetic3A_64 : vector<16xi32> to vector<16xi32>
    tpu.vector_store %arg9[%swap3A_65], %swap3A_68 {strides = array<i32>} : memref<512xi32, #tpu.memory_space<vmem>>, vector<16xi32>,
    %get3A_69 = arith.constant 48 : index
    %get3A_70 = tpu.vector_load %arg7[%get3A_69] {strides = array<i32>} : memref<512xi32, #tpu.memory_space<vmem>>, vector<16xi32>,
    %get3A_71 = vector.shape_cast %get3A_70 : vector<16xi32> to vector<16xi32>
    %shift_right_arithmetic3A_72 = arith.constant 14 : i32
    %shift_right_arithmetic3A_73 = vector.broadcast %shift_right_arithmetic3A_72 : i32 to vector<16xi32>
    %shift_right_arithmetic3A_74 = arith.shrsi %get3A_71, %shift_right_arithmetic3A_73 : vector<16xi32>
    %shift_left3A_75 = arith.constant 12 : i32
    %shift_left3A_76 = vector.broadcast %shift_left3A_75 : i32 to vector<16xi32>
    %shift_left3A_77 = arith.shli %shift_right_arithmetic3A_74, %shift_left3A_76 : vector<16xi32>
    %and3A_78 = arith.constant 4095 : i32
    %and3A_79 = vector.broadcast %and3A_78 : i32 to vector<16xi32>
    %and3A_80 = arith.andi %get3A_71, %and3A_79 : vector<16xi32>
    %or3A_81 = arith.ori %shift_left3A_77, %and3A_80 : vector<16xi32>
    %swap3A_82 = arith.constant 48 : index
    %swap3A_83 = tpu.vector_load %arg8[%swap3A_82] {strides = array<i32>} : memref<512xi32, #tpu.memory_space<vmem>>, vector<16xi32>,
    %swap3A_84 = vector.shape_cast %swap3A_83 : vector<16xi32> to vector<16xi32>
    %swap3A_85 = vector.shape_cast %or3A_81 : vector<16xi32> to vector<16xi32>
    tpu.vector_store %arg8[%swap3A_82], %swap3A_85 {strides = array<i32>} : memref<512xi32, #tpu.memory_space<vmem>>, vector<16xi32>,
    %shift_right_arithmetic3A_86 = arith.constant 7 : i32
    %shift_right_arithmetic3A_87 = vector.broadcast %shift_right_arithmetic3A_86 : i32 to vector<16xi32>
    %shift_right_arithmetic3A_88 = arith.shrsi %get3A_71, %shift_right_arithmetic3A_87 : vector<16xi32>
    %swap3A_89 = arith.constant 48 : index
    %swap3A_90 = tpu.vector_load %arg9[%swap3A_89] {strides = array<i32>} : memref<512xi32, #tpu.memory_space<vmem>>, vector<16xi32>,
    %swap3A_91 = vector.shape_cast %swap3A_90 : vector<16xi32> to vector<16xi32>
    %swap3A_92 = vector.shape_cast %shift_right_arithmetic3A_88 : vector<16xi32> to vector<16xi32>
    tpu.vector_store %arg9[%swap3A_89], %swap3A_92 {strides = array<i32>} : memref<512xi32, #tpu.memory_space<vmem>>, vector<16xi32>,
    %get3A_93 = arith.constant 64 : index
    %get3A_94 = tpu.vector_load %arg7[%get3A_93] {strides = array<i32>} : memref<512xi32, #tpu.memory_space<vmem>>, vector<16xi32>,
    %get3A_95 = vector.shape_cast %get3A_94 : vector<16xi32> to vector<16xi32>
    %shift_right_arithmetic3A_96 = arith.constant 14 : i32
    %shift_right_arithmetic3A_97 = vector.broadcast %shift_right_arithmetic3A_96 : i32 to vector<16xi32>
    %shift_right_arithmetic3A_98 = arith.shrsi %get3A_95, %shift_right_arithmetic3A_97 : vector<16xi32>
    %shift_left3A_99 = arith.constant 12 : i32
    %shift_left3A_100 = vector.broadcast %shift_left3A_99 : i32 to vector<16xi32>
    %shift_left3A_101 = arith.shli %shift_right_arithmetic3A_98, %shift_left3A_100 : vector<16xi32>
    %and3A_102 = arith.constant 4095 : i32
    %and3A_103 = vector.broadcast %and3A_102 : i32 to vector<16xi32>
    %and3A_104 = arith.andi %get3A_95, %and3A_103 : vector<16xi32>
    %or3A_105 = arith.ori %shift_left3A_101, %and3A_104 : vector<16xi32>
    %swap3A_106 = arith.constant 64 : index
    %swap3A_107 = tpu.vector_load %arg8[%swap3A_106] {strides = array<i32>} : memref<512xi32, #tpu.memory_space<vmem>>, vector<16xi32>,
    %swap3A_108 = vector.shape_cast %swap3A_107 : vector<16xi32> to vector<16xi32>
    %swap3A_109 = vector.shape_cast %or3A_105 : vector<16xi32> to vector<16xi32>
    tpu.vector_store %arg8[%swap3A_106], %swap3A_109 {strides = array<i32>} : memref<512xi32, #tpu.memory_space<vmem>>, vector<16xi32>,
    %shift_right_arithmetic3A_110 = arith.constant 7 : i32
    %shift_right_arithmetic3A_111 = vector.broadcast %shift_right_arithmetic3A_110 : i32 to vector<16xi32>
    %shift_right_arithmetic3A_112 = arith.shrsi %get3A_95, %shift_right_arithmetic3A_111 : vector<16xi32>
    %swap3A_113 = arith.constant 64 : index
    %swap3A_114 = tpu.vector_load %arg9[%swap3A_113] {strides = array<i32>} : memref<512xi32, #tpu.memory_space<vmem>>, vector<16xi32>,
    %swap3A_115 = vector.shape_cast %swap3A_114 : vector<16xi32> to vector<16xi32>
    %swap3A_116 = vector.shape_cast %shift_right_arithmetic3A_112 : vector<16xi32> to vector<16xi32>
    tpu.vector_store %arg9[%swap3A_113], %swap3A_116 {strides = array<i32>} : memref<512xi32, #tpu.memory_space<vmem>>, vector<16xi32>,
    %get3A_117 = arith.constant 80 : index
    %get3A_118 = tpu.vector_load %arg7[%get3A_117] {strides = array<i32>} : memref<512xi32, #tpu.memory_space<vmem>>, vector<16xi32>,
    %get3A_119 = vector.shape_cast %get3A_118 : vector<16xi32> to vector<16xi32>
    %shift_right_arithmetic3A_120 = arith.constant 14 : i32
    %shift_right_arithmetic3A_121 = vector.broadcast %shift_right_arithmetic3A_120 : i32 to vector<16xi32>
    %shift_right_arithmetic3A_122 = arith.shrsi %get3A_119, %shift_right_arithmetic3A_121 : vector<16xi32>
    %shift_left3A_123 = arith.constant 12 : i32
    %shift_left3A_124 = vector.broadcast %shift_left3A_123 : i32 to vector<16xi32>
    %shift_left3A_125 = arith.shli %shift_right_arithmetic3A_122, %shift_left3A_124 : vector<16xi32>
    %and3A_126 = arith.constant 4095 : i32
    %and3A_127 = vector.broadcast %and3A_126 : i32 to vector<16xi32>
    %and3A_128 = arith.andi %get3A_119, %and3A_127 : vector<16xi32>
    %or3A_129 = arith.ori %shift_left3A_125, %and3A_128 : vector<16xi32>
    %swap3A_130 = arith.constant 80 : index
    %swap3A_131 = tpu.vector_load %arg8[%swap3A_130] {strides = array<i32>} : memref<512xi32, #tpu.memory_space<vmem>>, vector<16xi32>,
    %swap3A_132 = vector.shape_cast %swap3A_131 : vector<16xi32> to vector<16xi32>
    %swap3A_133 = vector.shape_cast %or3A_129 : vector<16xi32> to vector<16xi32>
    tpu.vector_store %arg8[%swap3A_130], %swap3A_133 {strides = array<i32>} : memref<512xi32, #tpu.memory_space<vmem>>, vector<16xi32>,
    %shift_right_arithmetic3A_134 = arith.constant 7 : i32
    %shift_right_arithmetic3A_135 = vector.broadcast %shift_right_arithmetic3A_134 : i32 to vector<16xi32>
    %shift_right_arithmetic3A_136 = arith.shrsi %get3A_119, %shift_right_arithmetic3A_135 : vector<16xi32>
    %swap3A_137 = arith.constant 80 : index
    %swap3A_138 = tpu.vector_load %arg9[%swap3A_137] {strides = array<i32>} : memref<512xi32, #tpu.memory_space<vmem>>, vector<16xi32>,
    %swap3A_139 = vector.shape_cast %swap3A_138 : vector<16xi32> to vector<16xi32>
    %swap3A_140 = vector.shape_cast %shift_right_arithmetic3A_136 : vector<16xi32> to vector<16xi32>
    tpu.vector_store %arg9[%swap3A_137], %swap3A_140 {strides = array<i32>} : memref<512xi32, #tpu.memory_space<vmem>>, vector<16xi32>,
    %get3A_141 = arith.constant 96 : index
    %get3A_142 = tpu.vector_load %arg7[%get3A_141] {strides = array<i32>} : memref<512xi32, #tpu.memory_space<vmem>>, vector<16xi32>,
    %get3A_143 = vector.shape_cast %get3A_142 : vector<16xi32> to vector<16xi32>
    %shift_right_arithmetic3A_144 = arith.constant 14 : i32
    %shift_right_arithmetic3A_145 = vector.broadcast %shift_right_arithmetic3A_144 : i32 to vector<16xi32>
    %shift_right_arithmetic3A_146 = arith.shrsi %get3A_143, %shift_right_arithmetic3A_145 : vector<16xi32>
    %shift_left3A_147 = arith.constant 12 : i32
    %shift_left3A_148 = vector.broadcast %shift_left3A_147 : i32 to vector<16xi32>
    %shift_left3A_149 = arith.shli %shift_right_arithmetic3A_146, %shift_left3A_148 : vector<16xi32>
    %and3A_150 = arith.constant 4095 : i32
    %and3A_151 = vector.broadcast %and3A_150 : i32 to vector<16xi32>
    %and3A_152 = arith.andi %get3A_143, %and3A_151 : vector<16xi32>
    %or3A_153 = arith.ori %shift_left3A_149, %and3A_152 : vector<16xi32>
    %swap3A_154 = arith.constant 96 : index
    %swap3A_155 = tpu.vector_load %arg8[%swap3A_154] {strides = array<i32>} : memref<512xi32, #tpu.memory_space<vmem>>, vector<16xi32>,
    %swap3A_156 = vector.shape_cast %swap3A_155 : vector<16xi32> to vector<16xi32>
    %swap3A_157 = vector.shape_cast %or3A_153 : vector<16xi32> to vector<16xi32>
    tpu.vector_store %arg8[%swap3A_154], %swap3A_157 {strides = array<i32>} : memref<512xi32, #tpu.memory_space<vmem>>, vector<16xi32>,
    %shift_right_arithmetic3A_158 = arith.constant 7 : i32
    %shift_right_arithmetic3A_159 = vector.broadcast %shift_right_arithmetic3A_158 : i32 to vector<16xi32>
    %shift_right_arithmetic3A_160 = arith.shrsi %get3A_143, %shift_right_arithmetic3A_159 : vector<16xi32>
    %swap3A_161 = arith.constant 96 : index
    %swap3A_162 = tpu.vector_load %arg9[%swap3A_161] {strides = array<i32>} : memref<512xi32, #tpu.memory_space<vmem>>, vector<16xi32>,
    %swap3A_163 = vector.shape_cast %swap3A_162 : vector<16xi32> to vector<16xi32>
    %swap3A_164 = vector.shape_cast %shift_right_arithmetic3A_160 : vector<16xi32> to vector<16xi32>
    tpu.vector_store %arg9[%swap3A_161], %swap3A_164 {strides = array<i32>} : memref<512xi32, #tpu.memory_space<vmem>>, vector<16xi32>,
    %get3A_165 = arith.constant 112 : index
    %get3A_166 = tpu.vector_load %arg7[%get3A_165] {strides = array<i32>} : memref<512xi32, #tpu.memory_space<vmem>>, vector<16xi32>,
    %get3A_167 = vector.shape_cast %get3A_166 : vector<16xi32> to vector<16xi32>
    %shift_right_arithmetic3A_168 = arith.constant 14 : i32
    %shift_right_arithmetic3A_169 = vector.broadcast %shift_right_arithmetic3A_168 : i32 to vector<16xi32>
    %shift_right_arithmetic3A_170 = arith.shrsi %get3A_167, %shift_right_arithmetic3A_169 : vector<16xi32>
    %shift_left3A_171 = arith.constant 12 : i32
    %shift_left3A_172 = vector.broadcast %shift_left3A_171 : i32 to vector<16xi32>
    %shift_left3A_173 = arith.shli %shift_right_arithmetic3A_170, %shift_left3A_172 : vector<16xi32>
    %and3A_174 = arith.constant 4095 : i32
    %and3A_175 = vector.broadcast %and3A_174 : i32 to vector<16xi32>
    %and3A_176 = arith.andi %get3A_167, %and3A_175 : vector<16xi32>
    %or3A_177 = arith.ori %shift_left3A_173, %and3A_176 : vector<16xi32>
    %swap3A_178 = arith.constant 112 : index
    %swap3A_179 = tpu.vector_load %arg8[%swap3A_178] {strides = array<i32>} : memref<512xi32, #tpu.memory_space<vmem>>, vector<16xi32>,
    %swap3A_180 = vector.shape_cast %swap3A_179 : vector<16xi32> to vector<16xi32>
    %swap3A_181 = vector.shape_cast %or3A_177 : vector<16xi32> to vector<16xi32>
    tpu.vector_store %arg8[%swap3A_178], %swap3A_181 {strides = array<i32>} : memref<512xi32, #tpu.memory_space<vmem>>, vector<16xi32>,
    %shift_right_arithmetic3A_182 = arith.constant 7 : i32
    %shift_right_arithmetic3A_183 = vector.broadcast %shift_right_arithmetic3A_182 : i32 to vector<16xi32>
    %shift_right_arithmetic3A_184 = arith.shrsi %get3A_167, %shift_right_arithmetic3A_183 : vector<16xi32>
    %swap3A_185 = arith.constant 112 : index
    %swap3A_186 = tpu.vector_load %arg9[%swap3A_185] {strides = array<i32>} : memref<512xi32, #tpu.memory_space<vmem>>, vector<16xi32>,
    %swap3A_187 = vector.shape_cast %swap3A_186 : vector<16xi32> to vector<16xi32>
    %swap3A_188 = vector.shape_cast %shift_right_arithmetic3A_184 : vector<16xi32> to vector<16xi32>
    tpu.vector_store %arg9[%swap3A_185], %swap3A_188 {strides = array<i32>} : memref<512xi32, #tpu.memory_space<vmem>>, vector<16xi32>,
    %get3A_189 = arith.constant 128 : index
    %get3A_190 = tpu.vector_load %arg7[%get3A_189] {strides = array<i32>} : memref<512xi32, #tpu.memory_space<vmem>>, vector<16xi32>,
    %get3A_191 = vector.shape_cast %get3A_190 : vector<16xi32> to vector<16xi32>
    %shift_right_arithmetic3A_192 = arith.constant 14 : i32
    %shift_right_arithmetic3A_193 = vector.broadcast %shift_right_arithmetic3A_192 : i32 to vector<16xi32>
    %shift_right_arithmetic3A_194 = arith.shrsi %get3A_191, %shift_right_arithmetic3A_193 : vector<16xi32>
    %shift_left3A_195 = arith.constant 12 : i32
    %shift_left3A_196 = vector.broadcast %shift_left3A_195 : i32 to vector<16xi32>
    %shift_left3A_197 = arith.shli %shift_right_arithmetic3A_194, %shift_left3A_196 : vector<16xi32>
    %and3A_198 = arith.constant 4095 : i32
    %and3A_199 = vector.broadcast %and3A_198 : i32 to vector<16xi32>
    %and3A_200 = arith.andi %get3A_191, %and3A_199 : vector<16xi32>
    %or3A_201 = arith.ori %shift_left3A_197, %and3A_200 : vector<16xi32>
    %swap3A_202 = arith.constant 128 : index
    %swap3A_203 = tpu.vector_load %arg8[%swap3A_202] {strides = array<i32>} : memref<512xi32, #tpu.memory_space<vmem>>, vector<16xi32>,
    %swap3A_204 = vector.shape_cast %swap3A_203 : vector<16xi32> to vector<16xi32>
    %swap3A_205 = vector.shape_cast %or3A_201 : vector<16xi32> to vector<16xi32>
    tpu.vector_store %arg8[%swap3A_202], %swap3A_205 {strides = array<i32>} : memref<512xi32, #tpu.memory_space<vmem>>, vector<16xi32>,
    %shift_right_arithmetic3A_206 = arith.constant 7 : i32
    %shift_right_arithmetic3A_207 = vector.broadcast %shift_right_arithmetic3A_206 : i32 to vector<16xi32>
    %shift_right_arithmetic3A_208 = arith.shrsi %get3A_191, %shift_right_arithmetic3A_207 : vector<16xi32>
    %swap3A_209 = arith.constant 128 : index
    %swap3A_210 = tpu.vector_load %arg9[%swap3A_209] {strides = array<i32>} : memref<512xi32, #tpu.memory_space<vmem>>, vector<16xi32>,
    %swap3A_211 = vector.shape_cast %swap3A_210 : vector<16xi32> to vector<16xi32>
    %swap3A_212 = vector.shape_cast %shift_right_arithmetic3A_208 : vector<16xi32> to vector<16xi32>
    tpu.vector_store %arg9[%swap3A_209], %swap3A_212 {strides = array<i32>} : memref<512xi32, #tpu.memory_space<vmem>>, vector<16xi32>,
    %get3A_213 = arith.constant 144 : index
    %get3A_214 = tpu.vector_load %arg7[%get3A_213] {strides = array<i32>} : memref<512xi32, #tpu.memory_space<vmem>>, vector<16xi32>,
    %get3A_215 = vector.shape_cast %get3A_214 : vector<16xi32> to vector<16xi32>
    %shift_right_arithmetic3A_216 = arith.constant 14 : i32
    %shift_right_arithmetic3A_217 = vector.broadcast %shift_right_arithmetic3A_216 : i32 to vector<16xi32>
    %shift_right_arithmetic3A_218 = arith.shrsi %get3A_215, %shift_right_arithmetic3A_217 : vector<16xi32>
    %shift_left3A_219 = arith.constant 12 : i32
    %shift_left3A_220 = vector.broadcast %shift_left3A_219 : i32 to vector<16xi32>
    %shift_left3A_221 = arith.shli %shift_right_arithmetic3A_218, %shift_left3A_220 : vector<16xi32>
    %and3A_222 = arith.constant 4095 : i32
    %and3A_223 = vector.broadcast %and3A_222 : i32 to vector<16xi32>
    %and3A_224 = arith.andi %get3A_215, %and3A_223 : vector<16xi32>
    %or3A_225 = arith.ori %shift_left3A_221, %and3A_224 : vector<16xi32>
    %swap3A_226 = arith.constant 144 : index
    %swap3A_227 = tpu.vector_load %arg8[%swap3A_226] {strides = array<i32>} : memref<512xi32, #tpu.memory_space<vmem>>, vector<16xi32>,
    %swap3A_228 = vector.shape_cast %swap3A_227 : vector<16xi32> to vector<16xi32>
    %swap3A_229 = vector.shape_cast %or3A_225 : vector<16xi32> to vector<16xi32>
    tpu.vector_store %arg8[%swap3A_226], %swap3A_229 {strides = array<i32>} : memref<512xi32, #tpu.memory_space<vmem>>, vector<16xi32>,
    %shift_right_arithmetic3A_230 = arith.constant 7 : i32
    %shift_right_arithmetic3A_231 = vector.broadcast %shift_right_arithmetic3A_230 : i32 to vector<16xi32>
    %shift_right_arithmetic3A_232 = arith.shrsi %get3A_215, %shift_right_arithmetic3A_231 : vector<16xi32>
    %swap3A_233 = arith.constant 144 : index
    %swap3A_234 = tpu.vector_load %arg9[%swap3A_233] {strides = array<i32>} : memref<512xi32, #tpu.memory_space<vmem>>, vector<16xi32>,
    %swap3A_235 = vector.shape_cast %swap3A_234 : vector<16xi32> to vector<16xi32>
    %swap3A_236 = vector.shape_cast %shift_right_arithmetic3A_232 : vector<16xi32> to vector<16xi32>
    tpu.vector_store %arg9[%swap3A_233], %swap3A_236 {strides = array<i32>} : memref<512xi32, #tpu.memory_space<vmem>>, vector<16xi32>,
    %get3A_237 = arith.constant 160 : index
    %get3A_238 = tpu.vector_load %arg7[%get3A_237] {strides = array<i32>} : memref<512xi32, #tpu.memory_space<vmem>>, vector<16xi32>,
    %get3A_239 = vector.shape_cast %get3A_238 : vector<16xi32> to vector<16xi32>
    %shift_right_arithmetic3A_240 = arith.constant 14 : i32
    %shift_right_arithmetic3A_241 = vector.broadcast %shift_right_arithmetic3A_240 : i32 to vector<16xi32>
    %shift_right_arithmetic3A_242 = arith.shrsi %get3A_239, %shift_right_arithmetic3A_241 : vector<16xi32>
    %shift_left3A_243 = arith.constant 12 : i32
    %shift_left3A_244 = vector.broadcast %shift_left3A_243 : i32 to vector<16xi32>
    %shift_left3A_245 = arith.shli %shift_right_arithmetic3A_242, %shift_left3A_244 : vector<16xi32>
    %and3A_246 = arith.constant 4095 : i32
    %and3A_247 = vector.broadcast %and3A_246 : i32 to vector<16xi32>
    %and3A_248 = arith.andi %get3A_239, %and3A_247 : vector<16xi32>
    %or3A_249 = arith.ori %shift_left3A_245, %and3A_248 : vector<16xi32>
    %swap3A_250 = arith.constant 160 : index
    %swap3A_251 = tpu.vector_load %arg8[%swap3A_250] {strides = array<i32>} : memref<512xi32, #tpu.memory_space<vmem>>, vector<16xi32>,
    %swap3A_252 = vector.shape_cast %swap3A_251 : vector<16xi32> to vector<16xi32>
    %swap3A_253 = vector.shape_cast %or3A_249 : vector<16xi32> to vector<16xi32>
    tpu.vector_store %arg8[%swap3A_250], %swap3A_253 {strides = array<i32>} : memref<512xi32, #tpu.memory_space<vmem>>, vector<16xi32>,
    %shift_right_arithmetic3A_254 = arith.constant 7 : i32
    %shift_right_arithmetic3A_255 = vector.broadcast %shift_right_arithmetic3A_254 : i32 to vector<16xi32>
    %shift_right_arithmetic3A_256 = arith.shrsi %get3A_239, %shift_right_arithmetic3A_255 : vector<16xi32>
    %swap3A_257 = arith.constant 160 : index
    %swap3A_258 = tpu.vector_load %arg9[%swap3A_257] {strides = array<i32>} : memref<512xi32, #tpu.memory_space<vmem>>, vector<16xi32>,
    %swap3A_259 = vector.shape_cast %swap3A_258 : vector<16xi32> to vector<16xi32>
    %swap3A_260 = vector.shape_cast %shift_right_arithmetic3A_256 : vector<16xi32> to vector<16xi32>
    tpu.vector_store %arg9[%swap3A_257], %swap3A_260 {strides = array<i32>} : memref<512xi32, #tpu.memory_space<vmem>>, vector<16xi32>,
    %get3A_261 = arith.constant 176 : index
    %get3A_262 = tpu.vector_load %arg7[%get3A_261] {strides = array<i32>} : memref<512xi32, #tpu.memory_space<vmem>>, vector<16xi32>,
    %get3A_263 = vector.shape_cast %get3A_262 : vector<16xi32> to vector<16xi32>
    %shift_right_arithmetic3A_264 = arith.constant 14 : i32
    %shift_right_arithmetic3A_265 = vector.broadcast %shift_right_arithmetic3A_264 : i32 to vector<16xi32>
    %shift_right_arithmetic3A_266 = arith.shrsi %get3A_263, %shift_right_arithmetic3A_265 : vector<16xi32>
    %shift_left3A_267 = arith.constant 12 : i32
    %shift_left3A_268 = vector.broadcast %shift_left3A_267 : i32 to vector<16xi32>
    %shift_left3A_269 = arith.shli %shift_right_arithmetic3A_266, %shift_left3A_268 : vector<16xi32>
    %and3A_270 = arith.constant 4095 : i32
    %and3A_271 = vector.broadcast %and3A_270 : i32 to vector<16xi32>
    %and3A_272 = arith.andi %get3A_263, %and3A_271 : vector<16xi32>
    %or3A_273 = arith.ori %shift_left3A_269, %and3A_272 : vector<16xi32>
    %swap3A_274 = arith.constant 176 : index
    %swap3A_275 = tpu.vector_load %arg8[%swap3A_274] {strides = array<i32>} : memref<512xi32, #tpu.memory_space<vmem>>, vector<16xi32>,
    %swap3A_276 = vector.shape_cast %swap3A_275 : vector<16xi32> to vector<16xi32>
    %swap3A_277 = vector.shape_cast %or3A_273 : vector<16xi32> to vector<16xi32>
    tpu.vector_store %arg8[%swap3A_274], %swap3A_277 {strides = array<i32>} : memref<512xi32, #tpu.memory_space<vmem>>, vector<16xi32>,
    %shift_right_arithmetic3A_278 = arith.constant 7 : i32
    %shift_right_arithmetic3A_279 = vector.broadcast %shift_right_arithmetic3A_278 : i32 to vector<16xi32>
    %shift_right_arithmetic3A_280 = arith.shrsi %get3A_263, %shift_right_arithmetic3A_279 : vector<16xi32>
    %swap3A_281 = arith.constant 176 : index
    %swap3A_282 = tpu.vector_load %arg9[%swap3A_281] {strides = array<i32>} : memref<512xi32, #tpu.memory_space<vmem>>, vector<16xi32>,
    %swap3A_283 = vector.shape_cast %swap3A_282 : vector<16xi32> to vector<16xi32>
    %swap3A_284 = vector.shape_cast %shift_right_arithmetic3A_280 : vector<16xi32> to vector<16xi32>
    tpu.vector_store %arg9[%swap3A_281], %swap3A_284 {strides = array<i32>} : memref<512xi32, #tpu.memory_space<vmem>>, vector<16xi32>,
    %get3A_285 = arith.constant 192 : index
    %get3A_286 = tpu.vector_load %arg7[%get3A_285] {strides = array<i32>} : memref<512xi32, #tpu.memory_space<vmem>>, vector<16xi32>,
    %get3A_287 = vector.shape_cast %get3A_286 : vector<16xi32> to vector<16xi32>
    %shift_right_arithmetic3A_288 = arith.constant 14 : i32
    %shift_right_arithmetic3A_289 = vector.broadcast %shift_right_arithmetic3A_288 : i32 to vector<16xi32>
    %shift_right_arithmetic3A_290 = arith.shrsi %get3A_287, %shift_right_arithmetic3A_289 : vector<16xi32>
    %shift_left3A_291 = arith.constant 12 : i32
    %shift_left3A_292 = vector.broadcast %shift_left3A_291 : i32 to vector<16xi32>
    %shift_left3A_293 = arith.shli %shift_right_arithmetic3A_290, %shift_left3A_292 : vector<16xi32>
    %and3A_294 = arith.constant 4095 : i32
    %and3A_295 = vector.broadcast %and3A_294 : i32 to vector<16xi32>
    %and3A_296 = arith.andi %get3A_287, %and3A_295 : vector<16xi32>
    %or3A_297 = arith.ori %shift_left3A_293, %and3A_296 : vector<16xi32>
    %swap3A_298 = arith.constant 192 : index
    %swap3A_299 = tpu.vector_load %arg8[%swap3A_298] {strides = array<i32>} : memref<512xi32, #tpu.memory_space<vmem>>, vector<16xi32>,
    %swap3A_300 = vector.shape_cast %swap3A_299 : vector<16xi32> to vector<16xi32>
    %swap3A_301 = vector.shape_cast %or3A_297 : vector<16xi32> to vector<16xi32>
    tpu.vector_store %arg8[%swap3A_298], %swap3A_301 {strides = array<i32>} : memref<512xi32, #tpu.memory_space<vmem>>, vector<16xi32>,
    %shift_right_arithmetic3A_302 = arith.constant 7 : i32
    %shift_right_arithmetic3A_303 = vector.broadcast %shift_right_arithmetic3A_302 : i32 to vector<16xi32>
    %shift_right_arithmetic3A_304 = arith.shrsi %get3A_287, %shift_right_arithmetic3A_303 : vector<16xi32>
    %swap3A_305 = arith.constant 192 : index
    %swap3A_306 = tpu.vector_load %arg9[%swap3A_305] {strides = array<i32>} : memref<512xi32, #tpu.memory_space<vmem>>, vector<16xi32>,
    %swap3A_307 = vector.shape_cast %swap3A_306 : vector<16xi32> to vector<16xi32>
    %swap3A_308 = vector.shape_cast %shift_right_arithmetic3A_304 : vector<16xi32> to vector<16xi32>
    tpu.vector_store %arg9[%swap3A_305], %swap3A_308 {strides = array<i32>} : memref<512xi32, #tpu.memory_space<vmem>>, vector<16xi32>,
    %get3A_309 = arith.constant 208 : index
    %get3A_310 = tpu.vector_load %arg7[%get3A_309] {strides = array<i32>} : memref<512xi32, #tpu.memory_space<vmem>>, vector<16xi32>,
    %get3A_311 = vector.shape_cast %get3A_310 : vector<16xi32> to vector<16xi32>
    %shift_right_arithmetic3A_312 = arith.constant 14 : i32
    %shift_right_arithmetic3A_313 = vector.broadcast %shift_right_arithmetic3A_312 : i32 to vector<16xi32>
    %shift_right_arithmetic3A_314 = arith.shrsi %get3A_311, %shift_right_arithmetic3A_313 : vector<16xi32>
    %shift_left3A_315 = arith.constant 12 : i32
    %shift_left3A_316 = vector.broadcast %shift_left3A_315 : i32 to vector<16xi32>
    %shift_left3A_317 = arith.shli %shift_right_arithmetic3A_314, %shift_left3A_316 : vector<16xi32>
    %and3A_318 = arith.constant 4095 : i32
    %and3A_319 = vector.broadcast %and3A_318 : i32 to vector<16xi32>
    %and3A_320 = arith.andi %get3A_311, %and3A_319 : vector<16xi32>
    %or3A_321 = arith.ori %shift_left3A_317, %and3A_320 : vector<16xi32>
    %swap3A_322 = arith.constant 208 : index
    %swap3A_323 = tpu.vector_load %arg8[%swap3A_322] {strides = array<i32>} : memref<512xi32, #tpu.memory_space<vmem>>, vector<16xi32>,
    %swap3A_324 = vector.shape_cast %swap3A_323 : vector<16xi32> to vector<16xi32>
    %swap3A_325 = vector.shape_cast %or3A_321 : vector<16xi32> to vector<16xi32>
    tpu.vector_store %arg8[%swap3A_322], %swap3A_325 {strides = array<i32>} : memref<512xi32, #tpu.memory_space<vmem>>, vector<16xi32>,
    %shift_right_arithmetic3A_326 = arith.constant 7 : i32
    %shift_right_arithmetic3A_327 = vector.broadcast %shift_right_arithmetic3A_326 : i32 to vector<16xi32>
    %shift_right_arithmetic3A_328 = arith.shrsi %get3A_311, %shift_right_arithmetic3A_327 : vector<16xi32>
    %swap3A_329 = arith.constant 208 : index
    %swap3A_330 = tpu.vector_load %arg9[%swap3A_329] {strides = array<i32>} : memref<512xi32, #tpu.memory_space<vmem>>, vector<16xi32>,
    %swap3A_331 = vector.shape_cast %swap3A_330 : vector<16xi32> to vector<16xi32>
    %swap3A_332 = vector.shape_cast %shift_right_arithmetic3A_328 : vector<16xi32> to vector<16xi32>
    tpu.vector_store %arg9[%swap3A_329], %swap3A_332 {strides = array<i32>} : memref<512xi32, #tpu.memory_space<vmem>>, vector<16xi32>,
    %get3A_333 = arith.constant 224 : index
    %get3A_334 = tpu.vector_load %arg7[%get3A_333] {strides = array<i32>} : memref<512xi32, #tpu.memory_space<vmem>>, vector<16xi32>,
    %get3A_335 = vector.shape_cast %get3A_334 : vector<16xi32> to vector<16xi32>
    %shift_right_arithmetic3A_336 = arith.constant 14 : i32
    %shift_right_arithmetic3A_337 = vector.broadcast %shift_right_arithmetic3A_336 : i32 to vector<16xi32>
    %shift_right_arithmetic3A_338 = arith.shrsi %get3A_335, %shift_right_arithmetic3A_337 : vector<16xi32>
    %shift_left3A_339 = arith.constant 12 : i32
    %shift_left3A_340 = vector.broadcast %shift_left3A_339 : i32 to vector<16xi32>
    %shift_left3A_341 = arith.shli %shift_right_arithmetic3A_338, %shift_left3A_340 : vector<16xi32>
    %and3A_342 = arith.constant 4095 : i32
    %and3A_343 = vector.broadcast %and3A_342 : i32 to vector<16xi32>
    %and3A_344 = arith.andi %get3A_335, %and3A_343 : vector<16xi32>
    %or3A_345 = arith.ori %shift_left3A_341, %and3A_344 : vector<16xi32>
    %swap3A_346 = arith.constant 224 : index
    %swap3A_347 = tpu.vector_load %arg8[%swap3A_346] {strides = array<i32>} : memref<512xi32, #tpu.memory_space<vmem>>, vector<16xi32>,
    %swap3A_348 = vector.shape_cast %swap3A_347 : vector<16xi32> to vector<16xi32>
    %swap3A_349 = vector.shape_cast %or3A_345 : vector<16xi32> to vector<16xi32>
    tpu.vector_store %arg8[%swap3A_346], %swap3A_349 {strides = array<i32>} : memref<512xi32, #tpu.memory_space<vmem>>, vector<16xi32>,
    %shift_right_arithmetic3A_350 = arith.constant 7 : i32
    %shift_right_arithmetic3A_351 = vector.broadcast %shift_right_arithmetic3A_350 : i32 to vector<16xi32>
    %shift_right_arithmetic3A_352 = arith.shrsi %get3A_335, %shift_right_arithmetic3A_351 : vector<16xi32>
    %swap3A_353 = arith.constant 224 : index
    %swap3A_354 = tpu.vector_load %arg9[%swap3A_353] {strides = array<i32>} : memref<512xi32, #tpu.memory_space<vmem>>, vector<16xi32>,
    %swap3A_355 = vector.shape_cast %swap3A_354 : vector<16xi32> to vector<16xi32>
    %swap3A_356 = vector.shape_cast %shift_right_arithmetic3A_352 : vector<16xi32> to vector<16xi32>
    tpu.vector_store %arg9[%swap3A_353], %swap3A_356 {strides = array<i32>} : memref<512xi32, #tpu.memory_space<vmem>>, vector<16xi32>,
    %get3A_357 = arith.constant 240 : index
    %get3A_358 = tpu.vector_load %arg7[%get3A_357] {strides = array<i32>} : memref<512xi32, #tpu.memory_space<vmem>>, vector<16xi32>,
    %get3A_359 = vector.shape_cast %get3A_358 : vector<16xi32> to vector<16xi32>
    %shift_right_arithmetic3A_360 = arith.constant 14 : i32
    %shift_right_arithmetic3A_361 = vector.broadcast %shift_right_arithmetic3A_360 : i32 to vector<16xi32>
    %shift_right_arithmetic3A_362 = arith.shrsi %get3A_359, %shift_right_arithmetic3A_361 : vector<16xi32>
    %shift_left3A_363 = arith.constant 12 : i32
    %shift_left3A_364 = vector.broadcast %shift_left3A_363 : i32 to vector<16xi32>
    %shift_left3A_365 = arith.shli %shift_right_arithmetic3A_362, %shift_left3A_364 : vector<16xi32>
    %and3A_366 = arith.constant 4095 : i32
    %and3A_367 = vector.broadcast %and3A_366 : i32 to vector<16xi32>
    %and3A_368 = arith.andi %get3A_359, %and3A_367 : vector<16xi32>
    %or3A_369 = arith.ori %shift_left3A_365, %and3A_368 : vector<16xi32>
    %swap3A_370 = arith.constant 240 : index
    %swap3A_371 = tpu.vector_load %arg8[%swap3A_370] {strides = array<i32>} : memref<512xi32, #tpu.memory_space<vmem>>, vector<16xi32>,
    %swap3A_372 = vector.shape_cast %swap3A_371 : vector<16xi32> to vector<16xi32>
    %swap3A_373 = vector.shape_cast %or3A_369 : vector<16xi32> to vector<16xi32>
    tpu.vector_store %arg8[%swap3A_370], %swap3A_373 {strides = array<i32>} : memref<512xi32, #tpu.memory_space<vmem>>, vector<16xi32>,
    %shift_right_arithmetic3A_374 = arith.constant 7 : i32
    %shift_right_arithmetic3A_375 = vector.broadcast %shift_right_arithmetic3A_374 : i32 to vector<16xi32>
    %shift_right_arithmetic3A_376 = arith.shrsi %get3A_359, %shift_right_arithmetic3A_375 : vector<16xi32>
    %swap3A_377 = arith.constant 240 : index
    %swap3A_378 = tpu.vector_load %arg9[%swap3A_377] {strides = array<i32>} : memref<512xi32, #tpu.memory_space<vmem>>, vector<16xi32>,
    %swap3A_379 = vector.shape_cast %swap3A_378 : vector<16xi32> to vector<16xi32>
    %swap3A_380 = vector.shape_cast %shift_right_arithmetic3A_376 : vector<16xi32> to vector<16xi32>
    tpu.vector_store %arg9[%swap3A_377], %swap3A_380 {strides = array<i32>} : memref<512xi32, #tpu.memory_space<vmem>>, vector<16xi32>,
    %get3A_381 = arith.constant 256 : index
    %get3A_382 = tpu.vector_load %arg7[%get3A_381] {strides = array<i32>} : memref<512xi32, #tpu.memory_space<vmem>>, vector<16xi32>,
    %get3A_383 = vector.shape_cast %get3A_382 : vector<16xi32> to vector<16xi32>
    %shift_right_arithmetic3A_384 = arith.constant 14 : i32
    %shift_right_arithmetic3A_385 = vector.broadcast %shift_right_arithmetic3A_384 : i32 to vector<16xi32>
    %shift_right_arithmetic3A_386 = arith.shrsi %get3A_383, %shift_right_arithmetic3A_385 : vector<16xi32>
    %shift_left3A_387 = arith.constant 12 : i32
    %shift_left3A_388 = vector.broadcast %shift_left3A_387 : i32 to vector<16xi32>
    %shift_left3A_389 = arith.shli %shift_right_arithmetic3A_386, %shift_left3A_388 : vector<16xi32>
    %and3A_390 = arith.constant 4095 : i32
    %and3A_391 = vector.broadcast %and3A_390 : i32 to vector<16xi32>
    %and3A_392 = arith.andi %get3A_383, %and3A_391 : vector<16xi32>
    %or3A_393 = arith.ori %shift_left3A_389, %and3A_392 : vector<16xi32>
    %swap3A_394 = arith.constant 256 : index
    %swap3A_395 = tpu.vector_load %arg8[%swap3A_394] {strides = array<i32>} : memref<512xi32, #tpu.memory_space<vmem>>, vector<16xi32>,
    %swap3A_396 = vector.shape_cast %swap3A_395 : vector<16xi32> to vector<16xi32>
    %swap3A_397 = vector.shape_cast %or3A_393 : vector<16xi32> to vector<16xi32>
    tpu.vector_store %arg8[%swap3A_394], %swap3A_397 {strides = array<i32>} : memref<512xi32, #tpu.memory_space<vmem>>, vector<16xi32>,
    %shift_right_arithmetic3A_398 = arith.constant 7 : i32
    %shift_right_arithmetic3A_399 = vector.broadcast %shift_right_arithmetic3A_398 : i32 to vector<16xi32>
    %shift_right_arithmetic3A_400 = arith.shrsi %get3A_383, %shift_right_arithmetic3A_399 : vector<16xi32>
    %swap3A_401 = arith.constant 256 : index
    %swap3A_402 = tpu.vector_load %arg9[%swap3A_401] {strides = array<i32>} : memref<512xi32, #tpu.memory_space<vmem>>, vector<16xi32>,
    %swap3A_403 = vector.shape_cast %swap3A_402 : vector<16xi32> to vector<16xi32>
    %swap3A_404 = vector.shape_cast %shift_right_arithmetic3A_400 : vector<16xi32> to vector<16xi32>
    tpu.vector_store %arg9[%swap3A_401], %swap3A_404 {strides = array<i32>} : memref<512xi32, #tpu.memory_space<vmem>>, vector<16xi32>,
    %get3A_405 = arith.constant 272 : index
    %get3A_406 = tpu.vector_load %arg7[%get3A_405] {strides = array<i32>} : memref<512xi32, #tpu.memory_space<vmem>>, vector<16xi32>,
    %get3A_407 = vector.shape_cast %get3A_406 : vector<16xi32> to vector<16xi32>
    %shift_right_arithmetic3A_408 = arith.constant 14 : i32
    %shift_right_arithmetic3A_409 = vector.broadcast %shift_right_arithmetic3A_408 : i32 to vector<16xi32>
    %shift_right_arithmetic3A_410 = arith.shrsi %get3A_407, %shift_right_arithmetic3A_409 : vector<16xi32>
    %shift_left3A_411 = arith.constant 12 : i32
    %shift_left3A_412 = vector.broadcast %shift_left3A_411 : i32 to vector<16xi32>
    %shift_left3A_413 = arith.shli %shift_right_arithmetic3A_410, %shift_left3A_412 : vector<16xi32>
    %and3A_414 = arith.constant 4095 : i32
    %and3A_415 = vector.broadcast %and3A_414 : i32 to vector<16xi32>
    %and3A_416 = arith.andi %get3A_407, %and3A_415 : vector<16xi32>
    %or3A_417 = arith.ori %shift_left3A_413, %and3A_416 : vector<16xi32>
    %swap3A_418 = arith.constant 272 : index
    %swap3A_419 = tpu.vector_load %arg8[%swap3A_418] {strides = array<i32>} : memref<512xi32, #tpu.memory_space<vmem>>, vector<16xi32>,
    %swap3A_420 = vector.shape_cast %swap3A_419 : vector<16xi32> to vector<16xi32>
    %swap3A_421 = vector.shape_cast %or3A_417 : vector<16xi32> to vector<16xi32>
    tpu.vector_store %arg8[%swap3A_418], %swap3A_421 {strides = array<i32>} : memref<512xi32, #tpu.memory_space<vmem>>, vector<16xi32>,
    %shift_right_arithmetic3A_422 = arith.constant 7 : i32
    %shift_right_arithmetic3A_423 = vector.broadcast %shift_right_arithmetic3A_422 : i32 to vector<16xi32>
    %shift_right_arithmetic3A_424 = arith.shrsi %get3A_407, %shift_right_arithmetic3A_423 : vector<16xi32>
    %swap3A_425 = arith.constant 272 : index
    %swap3A_426 = tpu.vector_load %arg9[%swap3A_425] {strides = array<i32>} : memref<512xi32, #tpu.memory_space<vmem>>, vector<16xi32>,
    %swap3A_427 = vector.shape_cast %swap3A_426 : vector<16xi32> to vector<16xi32>
    %swap3A_428 = vector.shape_cast %shift_right_arithmetic3A_424 : vector<16xi32> to vector<16xi32>
    tpu.vector_store %arg9[%swap3A_425], %swap3A_428 {strides = array<i32>} : memref<512xi32, #tpu.memory_space<vmem>>, vector<16xi32>,
    %get3A_429 = arith.constant 288 : index
    %get3A_430 = tpu.vector_load %arg7[%get3A_429] {strides = array<i32>} : memref<512xi32, #tpu.memory_space<vmem>>, vector<16xi32>,
    %get3A_431 = vector.shape_cast %get3A_430 : vector<16xi32> to vector<16xi32>
    %shift_right_arithmetic3A_432 = arith.constant 14 : i32
    %shift_right_arithmetic3A_433 = vector.broadcast %shift_right_arithmetic3A_432 : i32 to vector<16xi32>
    %shift_right_arithmetic3A_434 = arith.shrsi %get3A_431, %shift_right_arithmetic3A_433 : vector<16xi32>
    %shift_left3A_435 = arith.constant 12 : i32
    %shift_left3A_436 = vector.broadcast %shift_left3A_435 : i32 to vector<16xi32>
    %shift_left3A_437 = arith.shli %shift_right_arithmetic3A_434, %shift_left3A_436 : vector<16xi32>
    %and3A_438 = arith.constant 4095 : i32
    %and3A_439 = vector.broadcast %and3A_438 : i32 to vector<16xi32>
    %and3A_440 = arith.andi %get3A_431, %and3A_439 : vector<16xi32>
    %or3A_441 = arith.ori %shift_left3A_437, %and3A_440 : vector<16xi32>
    %swap3A_442 = arith.constant 288 : index
    %swap3A_443 = tpu.vector_load %arg8[%swap3A_442] {strides = array<i32>} : memref<512xi32, #tpu.memory_space<vmem>>, vector<16xi32>,
    %swap3A_444 = vector.shape_cast %swap3A_443 : vector<16xi32> to vector<16xi32>
    %swap3A_445 = vector.shape_cast %or3A_441 : vector<16xi32> to vector<16xi32>
    tpu.vector_store %arg8[%swap3A_442], %swap3A_445 {strides = array<i32>} : memref<512xi32, #tpu.memory_space<vmem>>, vector<16xi32>,
    %shift_right_arithmetic3A_446 = arith.constant 7 : i32
    %shift_right_arithmetic3A_447 = vector.broadcast %shift_right_arithmetic3A_446 : i32 to vector<16xi32>
    %shift_right_arithmetic3A_448 = arith.shrsi %get3A_431, %shift_right_arithmetic3A_447 : vector<16xi32>
    %swap3A_449 = arith.constant 288 : index
    %swap3A_450 = tpu.vector_load %arg9[%swap3A_449] {strides = array<i32>} : memref<512xi32, #tpu.memory_space<vmem>>, vector<16xi32>,
    %swap3A_451 = vector.shape_cast %swap3A_450 : vector<16xi32> to vector<16xi32>
    %swap3A_452 = vector.shape_cast %shift_right_arithmetic3A_448 : vector<16xi32> to vector<16xi32>
    tpu.vector_store %arg9[%swap3A_449], %swap3A_452 {strides = array<i32>} : memref<512xi32, #tpu.memory_space<vmem>>, vector<16xi32>,
    %get3A_453 = arith.constant 304 : index
    %get3A_454 = tpu.vector_load %arg7[%get3A_453] {strides = array<i32>} : memref<512xi32, #tpu.memory_space<vmem>>, vector<16xi32>,
    %get3A_455 = vector.shape_cast %get3A_454 : vector<16xi32> to vector<16xi32>
    %shift_right_arithmetic3A_456 = arith.constant 14 : i32
    %shift_right_arithmetic3A_457 = vector.broadcast %shift_right_arithmetic3A_456 : i32 to vector<16xi32>
    %shift_right_arithmetic3A_458 = arith.shrsi %get3A_455, %shift_right_arithmetic3A_457 : vector<16xi32>
    %shift_left3A_459 = arith.constant 12 : i32
    %shift_left3A_460 = vector.broadcast %shift_left3A_459 : i32 to vector<16xi32>
    %shift_left3A_461 = arith.shli %shift_right_arithmetic3A_458, %shift_left3A_460 : vector<16xi32>
    %and3A_462 = arith.constant 4095 : i32
    %and3A_463 = vector.broadcast %and3A_462 : i32 to vector<16xi32>
    %and3A_464 = arith.andi %get3A_455, %and3A_463 : vector<16xi32>
    %or3A_465 = arith.ori %shift_left3A_461, %and3A_464 : vector<16xi32>
    %swap3A_466 = arith.constant 304 : index
    %swap3A_467 = tpu.vector_load %arg8[%swap3A_466] {strides = array<i32>} : memref<512xi32, #tpu.memory_space<vmem>>, vector<16xi32>,
    %swap3A_468 = vector.shape_cast %swap3A_467 : vector<16xi32> to vector<16xi32>
    %swap3A_469 = vector.shape_cast %or3A_465 : vector<16xi32> to vector<16xi32>
    tpu.vector_store %arg8[%swap3A_466], %swap3A_469 {strides = array<i32>} : memref<512xi32, #tpu.memory_space<vmem>>, vector<16xi32>,
    %shift_right_arithmetic3A_470 = arith.constant 7 : i32
    %shift_right_arithmetic3A_471 = vector.broadcast %shift_right_arithmetic3A_470 : i32 to vector<16xi32>
    %shift_right_arithmetic3A_472 = arith.shrsi %get3A_455, %shift_right_arithmetic3A_471 : vector<16xi32>
    %swap3A_473 = arith.constant 304 : index
    %swap3A_474 = tpu.vector_load %arg9[%swap3A_473] {strides = array<i32>} : memref<512xi32, #tpu.memory_space<vmem>>, vector<16xi32>,
    %swap3A_475 = vector.shape_cast %swap3A_474 : vector<16xi32> to vector<16xi32>
    %swap3A_476 = vector.shape_cast %shift_right_arithmetic3A_472 : vector<16xi32> to vector<16xi32>
    tpu.vector_store %arg9[%swap3A_473], %swap3A_476 {strides = array<i32>} : memref<512xi32, #tpu.memory_space<vmem>>, vector<16xi32>,
    %get3A_477 = arith.constant 320 : index
    %get3A_478 = tpu.vector_load %arg7[%get3A_477] {strides = array<i32>} : memref<512xi32, #tpu.memory_space<vmem>>, vector<16xi32>,
    %get3A_479 = vector.shape_cast %get3A_478 : vector<16xi32> to vector<16xi32>
    %shift_right_arithmetic3A_480 = arith.constant 14 : i32
    %shift_right_arithmetic3A_481 = vector.broadcast %shift_right_arithmetic3A_480 : i32 to vector<16xi32>
    %shift_right_arithmetic3A_482 = arith.shrsi %get3A_479, %shift_right_arithmetic3A_481 : vector<16xi32>
    %shift_left3A_483 = arith.constant 12 : i32
    %shift_left3A_484 = vector.broadcast %shift_left3A_483 : i32 to vector<16xi32>
    %shift_left3A_485 = arith.shli %shift_right_arithmetic3A_482, %shift_left3A_484 : vector<16xi32>
    %and3A_486 = arith.constant 4095 : i32
    %and3A_487 = vector.broadcast %and3A_486 : i32 to vector<16xi32>
    %and3A_488 = arith.andi %get3A_479, %and3A_487 : vector<16xi32>
    %or3A_489 = arith.ori %shift_left3A_485, %and3A_488 : vector<16xi32>
    %swap3A_490 = arith.constant 320 : index
    %swap3A_491 = tpu.vector_load %arg8[%swap3A_490] {strides = array<i32>} : memref<512xi32, #tpu.memory_space<vmem>>, vector<16xi32>,
    %swap3A_492 = vector.shape_cast %swap3A_491 : vector<16xi32> to vector<16xi32>
    %swap3A_493 = vector.shape_cast %or3A_489 : vector<16xi32> to vector<16xi32>
    tpu.vector_store %arg8[%swap3A_490], %swap3A_493 {strides = array<i32>} : memref<512xi32, #tpu.memory_space<vmem>>, vector<16xi32>,
    %shift_right_arithmetic3A_494 = arith.constant 7 : i32
    %shift_right_arithmetic3A_495 = vector.broadcast %shift_right_arithmetic3A_494 : i32 to vector<16xi32>
    %shift_right_arithmetic3A_496 = arith.shrsi %get3A_479, %shift_right_arithmetic3A_495 : vector<16xi32>
    %swap3A_497 = arith.constant 320 : index
    %swap3A_498 = tpu.vector_load %arg9[%swap3A_497] {strides = array<i32>} : memref<512xi32, #tpu.memory_space<vmem>>, vector<16xi32>,
    %swap3A_499 = vector.shape_cast %swap3A_498 : vector<16xi32> to vector<16xi32>
    %swap3A_500 = vector.shape_cast %shift_right_arithmetic3A_496 : vector<16xi32> to vector<16xi32>
    tpu.vector_store %arg9[%swap3A_497], %swap3A_500 {strides = array<i32>} : memref<512xi32, #tpu.memory_space<vmem>>, vector<16xi32>,
    %get3A_501 = arith.constant 336 : index
    %get3A_502 = tpu.vector_load %arg7[%get3A_501] {strides = array<i32>} : memref<512xi32, #tpu.memory_space<vmem>>, vector<16xi32>,
    %get3A_503 = vector.shape_cast %get3A_502 : vector<16xi32> to vector<16xi32>
    %shift_right_arithmetic3A_504 = arith.constant 14 : i32
    %shift_right_arithmetic3A_505 = vector.broadcast %shift_right_arithmetic3A_504 : i32 to vector<16xi32>
    %shift_right_arithmetic3A_506 = arith.shrsi %get3A_503, %shift_right_arithmetic3A_505 : vector<16xi32>
    %shift_left3A_507 = arith.constant 12 : i32
    %shift_left3A_508 = vector.broadcast %shift_left3A_507 : i32 to vector<16xi32>
    %shift_left3A_509 = arith.shli %shift_right_arithmetic3A_506, %shift_left3A_508 : vector<16xi32>
    %and3A_510 = arith.constant 4095 : i32
    %and3A_511 = vector.broadcast %and3A_510 : i32 to vector<16xi32>
    %and3A_512 = arith.andi %get3A_503, %and3A_511 : vector<16xi32>
    %or3A_513 = arith.ori %shift_left3A_509, %and3A_512 : vector<16xi32>
    %swap3A_514 = arith.constant 336 : index
    %swap3A_515 = tpu.vector_load %arg8[%swap3A_514] {strides = array<i32>} : memref<512xi32, #tpu.memory_space<vmem>>, vector<16xi32>,
    %swap3A_516 = vector.shape_cast %swap3A_515 : vector<16xi32> to vector<16xi32>
    %swap3A_517 = vector.shape_cast %or3A_513 : vector<16xi32> to vector<16xi32>
    tpu.vector_store %arg8[%swap3A_514], %swap3A_517 {strides = array<i32>} : memref<512xi32, #tpu.memory_space<vmem>>, vector<16xi32>,
    %shift_right_arithmetic3A_518 = arith.constant 7 : i32
    %shift_right_arithmetic3A_519 = vector.broadcast %shift_right_arithmetic3A_518 : i32 to vector<16xi32>
    %shift_right_arithmetic3A_520 = arith.shrsi %get3A_503, %shift_right_arithmetic3A_519 : vector<16xi32>
    %swap3A_521 = arith.constant 336 : index
    %swap3A_522 = tpu.vector_load %arg9[%swap3A_521] {strides = array<i32>} : memref<512xi32, #tpu.memory_space<vmem>>, vector<16xi32>,
    %swap3A_523 = vector.shape_cast %swap3A_522 : vector<16xi32> to vector<16xi32>
    %swap3A_524 = vector.shape_cast %shift_right_arithmetic3A_520 : vector<16xi32> to vector<16xi32>
    tpu.vector_store %arg9[%swap3A_521], %swap3A_524 {strides = array<i32>} : memref<512xi32, #tpu.memory_space<vmem>>, vector<16xi32>,
    %get3A_525 = arith.constant 352 : index
    %get3A_526 = tpu.vector_load %arg7[%get3A_525] {strides = array<i32>} : memref<512xi32, #tpu.memory_space<vmem>>, vector<16xi32>,
    %get3A_527 = vector.shape_cast %get3A_526 : vector<16xi32> to vector<16xi32>
    %shift_right_arithmetic3A_528 = arith.constant 14 : i32
    %shift_right_arithmetic3A_529 = vector.broadcast %shift_right_arithmetic3A_528 : i32 to vector<16xi32>
    %shift_right_arithmetic3A_530 = arith.shrsi %get3A_527, %shift_right_arithmetic3A_529 : vector<16xi32>
    %shift_left3A_531 = arith.constant 12 : i32
    %shift_left3A_532 = vector.broadcast %shift_left3A_531 : i32 to vector<16xi32>
    %shift_left3A_533 = arith.shli %shift_right_arithmetic3A_530, %shift_left3A_532 : vector<16xi32>
    %and3A_534 = arith.constant 4095 : i32
    %and3A_535 = vector.broadcast %and3A_534 : i32 to vector<16xi32>
    %and3A_536 = arith.andi %get3A_527, %and3A_535 : vector<16xi32>
    %or3A_537 = arith.ori %shift_left3A_533, %and3A_536 : vector<16xi32>
    %swap3A_538 = arith.constant 352 : index
    %swap3A_539 = tpu.vector_load %arg8[%swap3A_538] {strides = array<i32>} : memref<512xi32, #tpu.memory_space<vmem>>, vector<16xi32>,
    %swap3A_540 = vector.shape_cast %swap3A_539 : vector<16xi32> to vector<16xi32>
    %swap3A_541 = vector.shape_cast %or3A_537 : vector<16xi32> to vector<16xi32>
    tpu.vector_store %arg8[%swap3A_538], %swap3A_541 {strides = array<i32>} : memref<512xi32, #tpu.memory_space<vmem>>, vector<16xi32>,
    %shift_right_arithmetic3A_542 = arith.constant 7 : i32
    %shift_right_arithmetic3A_543 = vector.broadcast %shift_right_arithmetic3A_542 : i32 to vector<16xi32>
    %shift_right_arithmetic3A_544 = arith.shrsi %get3A_527, %shift_right_arithmetic3A_543 : vector<16xi32>
    %swap3A_545 = arith.constant 352 : index
    %swap3A_546 = tpu.vector_load %arg9[%swap3A_545] {strides = array<i32>} : memref<512xi32, #tpu.memory_space<vmem>>, vector<16xi32>,
    %swap3A_547 = vector.shape_cast %swap3A_546 : vector<16xi32> to vector<16xi32>
    %swap3A_548 = vector.shape_cast %shift_right_arithmetic3A_544 : vector<16xi32> to vector<16xi32>
    tpu.vector_store %arg9[%swap3A_545], %swap3A_548 {strides = array<i32>} : memref<512xi32, #tpu.memory_space<vmem>>, vector<16xi32>,
    %get3A_549 = arith.constant 368 : index
    %get3A_550 = tpu.vector_load %arg7[%get3A_549] {strides = array<i32>} : memref<512xi32, #tpu.memory_space<vmem>>, vector<16xi32>,
    %get3A_551 = vector.shape_cast %get3A_550 : vector<16xi32> to vector<16xi32>
    %shift_right_arithmetic3A_552 = arith.constant 14 : i32
    %shift_right_arithmetic3A_553 = vector.broadcast %shift_right_arithmetic3A_552 : i32 to vector<16xi32>
    %shift_right_arithmetic3A_554 = arith.shrsi %get3A_551, %shift_right_arithmetic3A_553 : vector<16xi32>
    %shift_left3A_555 = arith.constant 12 : i32
    %shift_left3A_556 = vector.broadcast %shift_left3A_555 : i32 to vector<16xi32>
    %shift_left3A_557 = arith.shli %shift_right_arithmetic3A_554, %shift_left3A_556 : vector<16xi32>
    %and3A_558 = arith.constant 4095 : i32
    %and3A_559 = vector.broadcast %and3A_558 : i32 to vector<16xi32>
    %and3A_560 = arith.andi %get3A_551, %and3A_559 : vector<16xi32>
    %or3A_561 = arith.ori %shift_left3A_557, %and3A_560 : vector<16xi32>
    %swap3A_562 = arith.constant 368 : index
    %swap3A_563 = tpu.vector_load %arg8[%swap3A_562] {strides = array<i32>} : memref<512xi32, #tpu.memory_space<vmem>>, vector<16xi32>,
    %swap3A_564 = vector.shape_cast %swap3A_563 : vector<16xi32> to vector<16xi32>
    %swap3A_565 = vector.shape_cast %or3A_561 : vector<16xi32> to vector<16xi32>
    tpu.vector_store %arg8[%swap3A_562], %swap3A_565 {strides = array<i32>} : memref<512xi32, #tpu.memory_space<vmem>>, vector<16xi32>,
    %shift_right_arithmetic3A_566 = arith.constant 7 : i32
    %shift_right_arithmetic3A_567 = vector.broadcast %shift_right_arithmetic3A_566 : i32 to vector<16xi32>
    %shift_right_arithmetic3A_568 = arith.shrsi %get3A_551, %shift_right_arithmetic3A_567 : vector<16xi32>
    %swap3A_569 = arith.constant 368 : index
    %swap3A_570 = tpu.vector_load %arg9[%swap3A_569] {strides = array<i32>} : memref<512xi32, #tpu.memory_space<vmem>>, vector<16xi32>,
    %swap3A_571 = vector.shape_cast %swap3A_570 : vector<16xi32> to vector<16xi32>
    %swap3A_572 = vector.shape_cast %shift_right_arithmetic3A_568 : vector<16xi32> to vector<16xi32>
    tpu.vector_store %arg9[%swap3A_569], %swap3A_572 {strides = array<i32>} : memref<512xi32, #tpu.memory_space<vmem>>, vector<16xi32>,
    %get3A_573 = arith.constant 384 : index
    %get3A_574 = tpu.vector_load %arg7[%get3A_573] {strides = array<i32>} : memref<512xi32, #tpu.memory_space<vmem>>, vector<16xi32>,
    %get3A_575 = vector.shape_cast %get3A_574 : vector<16xi32> to vector<16xi32>
    %shift_right_arithmetic3A_576 = arith.constant 14 : i32
    %shift_right_arithmetic3A_577 = vector.broadcast %shift_right_arithmetic3A_576 : i32 to vector<16xi32>
    %shift_right_arithmetic3A_578 = arith.shrsi %get3A_575, %shift_right_arithmetic3A_577 : vector<16xi32>
    %shift_left3A_579 = arith.constant 12 : i32
    %shift_left3A_580 = vector.broadcast %shift_left3A_579 : i32 to vector<16xi32>
    %shift_left3A_581 = arith.shli %shift_right_arithmetic3A_578, %shift_left3A_580 : vector<16xi32>
    %and3A_582 = arith.constant 4095 : i32
    %and3A_583 = vector.broadcast %and3A_582 : i32 to vector<16xi32>
    %and3A_584 = arith.andi %get3A_575, %and3A_583 : vector<16xi32>
    %or3A_585 = arith.ori %shift_left3A_581, %and3A_584 : vector<16xi32>
    %swap3A_586 = arith.constant 384 : index
    %swap3A_587 = tpu.vector_load %arg8[%swap3A_586] {strides = array<i32>} : memref<512xi32, #tpu.memory_space<vmem>>, vector<16xi32>,
    %swap3A_588 = vector.shape_cast %swap3A_587 : vector<16xi32> to vector<16xi32>
    %swap3A_589 = vector.shape_cast %or3A_585 : vector<16xi32> to vector<16xi32>
    tpu.vector_store %arg8[%swap3A_586], %swap3A_589 {strides = array<i32>} : memref<512xi32, #tpu.memory_space<vmem>>, vector<16xi32>,
    %shift_right_arithmetic3A_590 = arith.constant 7 : i32
    %shift_right_arithmetic3A_591 = vector.broadcast %shift_right_arithmetic3A_590 : i32 to vector<16xi32>
    %shift_right_arithmetic3A_592 = arith.shrsi %get3A_575, %shift_right_arithmetic3A_591 : vector<16xi32>
    %swap3A_593 = arith.constant 384 : index
    %swap3A_594 = tpu.vector_load %arg9[%swap3A_593] {strides = array<i32>} : memref<512xi32, #tpu.memory_space<vmem>>, vector<16xi32>,
    %swap3A_595 = vector.shape_cast %swap3A_594 : vector<16xi32> to vector<16xi32>
    %swap3A_596 = vector.shape_cast %shift_right_arithmetic3A_592 : vector<16xi32> to vector<16xi32>
    tpu.vector_store %arg9[%swap3A_593], %swap3A_596 {strides = array<i32>} : memref<512xi32, #tpu.memory_space<vmem>>, vector<16xi32>,
    %get3A_597 = arith.constant 400 : index
    %get3A_598 = tpu.vector_load %arg7[%get3A_597] {strides = array<i32>} : memref<512xi32, #tpu.memory_space<vmem>>, vector<16xi32>,
    %get3A_599 = vector.shape_cast %get3A_598 : vector<16xi32> to vector<16xi32>
    %shift_right_arithmetic3A_600 = arith.constant 14 : i32
    %shift_right_arithmetic3A_601 = vector.broadcast %shift_right_arithmetic3A_600 : i32 to vector<16xi32>
    %shift_right_arithmetic3A_602 = arith.shrsi %get3A_599, %shift_right_arithmetic3A_601 : vector<16xi32>
    %shift_left3A_603 = arith.constant 12 : i32
    %shift_left3A_604 = vector.broadcast %shift_left3A_603 : i32 to vector<16xi32>
    %shift_left3A_605 = arith.shli %shift_right_arithmetic3A_602, %shift_left3A_604 : vector<16xi32>
    %and3A_606 = arith.constant 4095 : i32
    %and3A_607 = vector.broadcast %and3A_606 : i32 to vector<16xi32>
    %and3A_608 = arith.andi %get3A_599, %and3A_607 : vector<16xi32>
    %or3A_609 = arith.ori %shift_left3A_605, %and3A_608 : vector<16xi32>
    %swap3A_610 = arith.constant 400 : index
    %swap3A_611 = tpu.vector_load %arg8[%swap3A_610] {strides = array<i32>} : memref<512xi32, #tpu.memory_space<vmem>>, vector<16xi32>,
    %swap3A_612 = vector.shape_cast %swap3A_611 : vector<16xi32> to vector<16xi32>
    %swap3A_613 = vector.shape_cast %or3A_609 : vector<16xi32> to vector<16xi32>
    tpu.vector_store %arg8[%swap3A_610], %swap3A_613 {strides = array<i32>} : memref<512xi32, #tpu.memory_space<vmem>>, vector<16xi32>,
    %shift_right_arithmetic3A_614 = arith.constant 7 : i32
    %shift_right_arithmetic3A_615 = vector.broadcast %shift_right_arithmetic3A_614 : i32 to vector<16xi32>
    %shift_right_arithmetic3A_616 = arith.shrsi %get3A_599, %shift_right_arithmetic3A_615 : vector<16xi32>
    %swap3A_617 = arith.constant 400 : index
    %swap3A_618 = tpu.vector_load %arg9[%swap3A_617] {strides = array<i32>} : memref<512xi32, #tpu.memory_space<vmem>>, vector<16xi32>,
    %swap3A_619 = vector.shape_cast %swap3A_618 : vector<16xi32> to vector<16xi32>
    %swap3A_620 = vector.shape_cast %shift_right_arithmetic3A_616 : vector<16xi32> to vector<16xi32>
    tpu.vector_store %arg9[%swap3A_617], %swap3A_620 {strides = array<i32>} : memref<512xi32, #tpu.memory_space<vmem>>, vector<16xi32>,
    %get3A_621 = arith.constant 416 : index
    %get3A_622 = tpu.vector_load %arg7[%get3A_621] {strides = array<i32>} : memref<512xi32, #tpu.memory_space<vmem>>, vector<16xi32>,
    %get3A_623 = vector.shape_cast %get3A_622 : vector<16xi32> to vector<16xi32>
    %shift_right_arithmetic3A_624 = arith.constant 14 : i32
    %shift_right_arithmetic3A_625 = vector.broadcast %shift_right_arithmetic3A_624 : i32 to vector<16xi32>
    %shift_right_arithmetic3A_626 = arith.shrsi %get3A_623, %shift_right_arithmetic3A_625 : vector<16xi32>
    %shift_left3A_627 = arith.constant 12 : i32
    %shift_left3A_628 = vector.broadcast %shift_left3A_627 : i32 to vector<16xi32>
    %shift_left3A_629 = arith.shli %shift_right_arithmetic3A_626, %shift_left3A_628 : vector<16xi32>
    %and3A_630 = arith.constant 4095 : i32
    %and3A_631 = vector.broadcast %and3A_630 : i32 to vector<16xi32>
    %and3A_632 = arith.andi %get3A_623, %and3A_631 : vector<16xi32>
    %or3A_633 = arith.ori %shift_left3A_629, %and3A_632 : vector<16xi32>
    %swap3A_634 = arith.constant 416 : index
    %swap3A_635 = tpu.vector_load %arg8[%swap3A_634] {strides = array<i32>} : memref<512xi32, #tpu.memory_space<vmem>>, vector<16xi32>,
    %swap3A_636 = vector.shape_cast %swap3A_635 : vector<16xi32> to vector<16xi32>
    %swap3A_637 = vector.shape_cast %or3A_633 : vector<16xi32> to vector<16xi32>
    tpu.vector_store %arg8[%swap3A_634], %swap3A_637 {strides = array<i32>} : memref<512xi32, #tpu.memory_space<vmem>>, vector<16xi32>,
    %shift_right_arithmetic3A_638 = arith.constant 7 : i32
    %shift_right_arithmetic3A_639 = vector.broadcast %shift_right_arithmetic3A_638 : i32 to vector<16xi32>
    %shift_right_arithmetic3A_640 = arith.shrsi %get3A_623, %shift_right_arithmetic3A_639 : vector<16xi32>
    %swap3A_641 = arith.constant 416 : index
    %swap3A_642 = tpu.vector_load %arg9[%swap3A_641] {strides = array<i32>} : memref<512xi32, #tpu.memory_space<vmem>>, vector<16xi32>,
    %swap3A_643 = vector.shape_cast %swap3A_642 : vector<16xi32> to vector<16xi32>
    %swap3A_644 = vector.shape_cast %shift_right_arithmetic3A_640 : vector<16xi32> to vector<16xi32>
    tpu.vector_store %arg9[%swap3A_641], %swap3A_644 {strides = array<i32>} : memref<512xi32, #tpu.memory_space<vmem>>, vector<16xi32>,
    %get3A_645 = arith.constant 432 : index
    %get3A_646 = tpu.vector_load %arg7[%get3A_645] {strides = array<i32>} : memref<512xi32, #tpu.memory_space<vmem>>, vector<16xi32>,
    %get3A_647 = vector.shape_cast %get3A_646 : vector<16xi32> to vector<16xi32>
    %shift_right_arithmetic3A_648 = arith.constant 14 : i32
    %shift_right_arithmetic3A_649 = vector.broadcast %shift_right_arithmetic3A_648 : i32 to vector<16xi32>
    %shift_right_arithmetic3A_650 = arith.shrsi %get3A_647, %shift_right_arithmetic3A_649 : vector<16xi32>
    %shift_left3A_651 = arith.constant 12 : i32
    %shift_left3A_652 = vector.broadcast %shift_left3A_651 : i32 to vector<16xi32>
    %shift_left3A_653 = arith.shli %shift_right_arithmetic3A_650, %shift_left3A_652 : vector<16xi32>
    %and3A_654 = arith.constant 4095 : i32
    %and3A_655 = vector.broadcast %and3A_654 : i32 to vector<16xi32>
    %and3A_656 = arith.andi %get3A_647, %and3A_655 : vector<16xi32>
    %or3A_657 = arith.ori %shift_left3A_653, %and3A_656 : vector<16xi32>
    %swap3A_658 = arith.constant 432 : index
    %swap3A_659 = tpu.vector_load %arg8[%swap3A_658] {strides = array<i32>} : memref<512xi32, #tpu.memory_space<vmem>>, vector<16xi32>,
    %swap3A_660 = vector.shape_cast %swap3A_659 : vector<16xi32> to vector<16xi32>
    %swap3A_661 = vector.shape_cast %or3A_657 : vector<16xi32> to vector<16xi32>
    tpu.vector_store %arg8[%swap3A_658], %swap3A_661 {strides = array<i32>} : memref<512xi32, #tpu.memory_space<vmem>>, vector<16xi32>,
    %shift_right_arithmetic3A_662 = arith.constant 7 : i32
    %shift_right_arithmetic3A_663 = vector.broadcast %shift_right_arithmetic3A_662 : i32 to vector<16xi32>
    %shift_right_arithmetic3A_664 = arith.shrsi %get3A_647, %shift_right_arithmetic3A_663 : vector<16xi32>
    %swap3A_665 = arith.constant 432 : index
    %swap3A_666 = tpu.vector_load %arg9[%swap3A_665] {strides = array<i32>} : memref<512xi32, #tpu.memory_space<vmem>>, vector<16xi32>,
    %swap3A_667 = vector.shape_cast %swap3A_666 : vector<16xi32> to vector<16xi32>
    %swap3A_668 = vector.shape_cast %shift_right_arithmetic3A_664 : vector<16xi32> to vector<16xi32>
    tpu.vector_store %arg9[%swap3A_665], %swap3A_668 {strides = array<i32>} : memref<512xi32, #tpu.memory_space<vmem>>, vector<16xi32>,
    %get3A_669 = arith.constant 448 : index
    %get3A_670 = tpu.vector_load %arg7[%get3A_669] {strides = array<i32>} : memref<512xi32, #tpu.memory_space<vmem>>, vector<16xi32>,
    %get3A_671 = vector.shape_cast %get3A_670 : vector<16xi32> to vector<16xi32>
    %shift_right_arithmetic3A_672 = arith.constant 14 : i32
    %shift_right_arithmetic3A_673 = vector.broadcast %shift_right_arithmetic3A_672 : i32 to vector<16xi32>
    %shift_right_arithmetic3A_674 = arith.shrsi %get3A_671, %shift_right_arithmetic3A_673 : vector<16xi32>
    %shift_left3A_675 = arith.constant 12 : i32
    %shift_left3A_676 = vector.broadcast %shift_left3A_675 : i32 to vector<16xi32>
    %shift_left3A_677 = arith.shli %shift_right_arithmetic3A_674, %shift_left3A_676 : vector<16xi32>
    %and3A_678 = arith.constant 4095 : i32
    %and3A_679 = vector.broadcast %and3A_678 : i32 to vector<16xi32>
    %and3A_680 = arith.andi %get3A_671, %and3A_679 : vector<16xi32>
    %or3A_681 = arith.ori %shift_left3A_677, %and3A_680 : vector<16xi32>
    %swap3A_682 = arith.constant 448 : index
    %swap3A_683 = tpu.vector_load %arg8[%swap3A_682] {strides = array<i32>} : memref<512xi32, #tpu.memory_space<vmem>>, vector<16xi32>,
    %swap3A_684 = vector.shape_cast %swap3A_683 : vector<16xi32> to vector<16xi32>
    %swap3A_685 = vector.shape_cast %or3A_681 : vector<16xi32> to vector<16xi32>
    tpu.vector_store %arg8[%swap3A_682], %swap3A_685 {strides = array<i32>} : memref<512xi32, #tpu.memory_space<vmem>>, vector<16xi32>,
    %shift_right_arithmetic3A_686 = arith.constant 7 : i32
    %shift_right_arithmetic3A_687 = vector.broadcast %shift_right_arithmetic3A_686 : i32 to vector<16xi32>
    %shift_right_arithmetic3A_688 = arith.shrsi %get3A_671, %shift_right_arithmetic3A_687 : vector<16xi32>
    %swap3A_689 = arith.constant 448 : index
    %swap3A_690 = tpu.vector_load %arg9[%swap3A_689] {strides = array<i32>} : memref<512xi32, #tpu.memory_space<vmem>>, vector<16xi32>,
    %swap3A_691 = vector.shape_cast %swap3A_690 : vector<16xi32> to vector<16xi32>
    %swap3A_692 = vector.shape_cast %shift_right_arithmetic3A_688 : vector<16xi32> to vector<16xi32>
    tpu.vector_store %arg9[%swap3A_689], %swap3A_692 {strides = array<i32>} : memref<512xi32, #tpu.memory_space<vmem>>, vector<16xi32>,
    %get3A_693 = arith.constant 464 : index
    %get3A_694 = tpu.vector_load %arg7[%get3A_693] {strides = array<i32>} : memref<512xi32, #tpu.memory_space<vmem>>, vector<16xi32>,
    %get3A_695 = vector.shape_cast %get3A_694 : vector<16xi32> to vector<16xi32>
    %shift_right_arithmetic3A_696 = arith.constant 14 : i32
    %shift_right_arithmetic3A_697 = vector.broadcast %shift_right_arithmetic3A_696 : i32 to vector<16xi32>
    %shift_right_arithmetic3A_698 = arith.shrsi %get3A_695, %shift_right_arithmetic3A_697 : vector<16xi32>
    %shift_left3A_699 = arith.constant 12 : i32
    %shift_left3A_700 = vector.broadcast %shift_left3A_699 : i32 to vector<16xi32>
    %shift_left3A_701 = arith.shli %shift_right_arithmetic3A_698, %shift_left3A_700 : vector<16xi32>
    %and3A_702 = arith.constant 4095 : i32
    %and3A_703 = vector.broadcast %and3A_702 : i32 to vector<16xi32>
    %and3A_704 = arith.andi %get3A_695, %and3A_703 : vector<16xi32>
    %or3A_705 = arith.ori %shift_left3A_701, %and3A_704 : vector<16xi32>
    %swap3A_706 = arith.constant 464 : index
    %swap3A_707 = tpu.vector_load %arg8[%swap3A_706] {strides = array<i32>} : memref<512xi32, #tpu.memory_space<vmem>>, vector<16xi32>,
    %swap3A_708 = vector.shape_cast %swap3A_707 : vector<16xi32> to vector<16xi32>
    %swap3A_709 = vector.shape_cast %or3A_705 : vector<16xi32> to vector<16xi32>
    tpu.vector_store %arg8[%swap3A_706], %swap3A_709 {strides = array<i32>} : memref<512xi32, #tpu.memory_space<vmem>>, vector<16xi32>,
    %shift_right_arithmetic3A_710 = arith.constant 7 : i32
    %shift_right_arithmetic3A_711 = vector.broadcast %shift_right_arithmetic3A_710 : i32 to vector<16xi32>
    %shift_right_arithmetic3A_712 = arith.shrsi %get3A_695, %shift_right_arithmetic3A_711 : vector<16xi32>
    %swap3A_713 = arith.constant 464 : index
    %swap3A_714 = tpu.vector_load %arg9[%swap3A_713] {strides = array<i32>} : memref<512xi32, #tpu.memory_space<vmem>>, vector<16xi32>,
    %swap3A_715 = vector.shape_cast %swap3A_714 : vector<16xi32> to vector<16xi32>
    %swap3A_716 = vector.shape_cast %shift_right_arithmetic3A_712 : vector<16xi32> to vector<16xi32>
    tpu.vector_store %arg9[%swap3A_713], %swap3A_716 {strides = array<i32>} : memref<512xi32, #tpu.memory_space<vmem>>, vector<16xi32>,
    %get3A_717 = arith.constant 480 : index
    %get3A_718 = tpu.vector_load %arg7[%get3A_717] {strides = array<i32>} : memref<512xi32, #tpu.memory_space<vmem>>, vector<16xi32>,
    %get3A_719 = vector.shape_cast %get3A_718 : vector<16xi32> to vector<16xi32>
    %shift_right_arithmetic3A_720 = arith.constant 14 : i32
    %shift_right_arithmetic3A_721 = vector.broadcast %shift_right_arithmetic3A_720 : i32 to vector<16xi32>
    %shift_right_arithmetic3A_722 = arith.shrsi %get3A_719, %shift_right_arithmetic3A_721 : vector<16xi32>
    %shift_left3A_723 = arith.constant 12 : i32
    %shift_left3A_724 = vector.broadcast %shift_left3A_723 : i32 to vector<16xi32>
    %shift_left3A_725 = arith.shli %shift_right_arithmetic3A_722, %shift_left3A_724 : vector<16xi32>
    %and3A_726 = arith.constant 4095 : i32
    %and3A_727 = vector.broadcast %and3A_726 : i32 to vector<16xi32>
    %and3A_728 = arith.andi %get3A_719, %and3A_727 : vector<16xi32>
    %or3A_729 = arith.ori %shift_left3A_725, %and3A_728 : vector<16xi32>
    %swap3A_730 = arith.constant 480 : index
    %swap3A_731 = tpu.vector_load %arg8[%swap3A_730] {strides = array<i32>} : memref<512xi32, #tpu.memory_space<vmem>>, vector<16xi32>,
    %swap3A_732 = vector.shape_cast %swap3A_731 : vector<16xi32> to vector<16xi32>
    %swap3A_733 = vector.shape_cast %or3A_729 : vector<16xi32> to vector<16xi32>
    tpu.vector_store %arg8[%swap3A_730], %swap3A_733 {strides = array<i32>} : memref<512xi32, #tpu.memory_space<vmem>>, vector<16xi32>,
    %shift_right_arithmetic3A_734 = arith.constant 7 : i32
    %shift_right_arithmetic3A_735 = vector.broadcast %shift_right_arithmetic3A_734 : i32 to vector<16xi32>
    %shift_right_arithmetic3A_736 = arith.shrsi %get3A_719, %shift_right_arithmetic3A_735 : vector<16xi32>
    %swap3A_737 = arith.constant 480 : index
    %swap3A_738 = tpu.vector_load %arg9[%swap3A_737] {strides = array<i32>} : memref<512xi32, #tpu.memory_space<vmem>>, vector<16xi32>,
    %swap3A_739 = vector.shape_cast %swap3A_738 : vector<16xi32> to vector<16xi32>
    %swap3A_740 = vector.shape_cast %shift_right_arithmetic3A_736 : vector<16xi32> to vector<16xi32>
    tpu.vector_store %arg9[%swap3A_737], %swap3A_740 {strides = array<i32>} : memref<512xi32, #tpu.memory_space<vmem>>, vector<16xi32>,
    %get3A_741 = arith.constant 496 : index
    %get3A_742 = tpu.vector_load %arg7[%get3A_741] {strides = array<i32>} : memref<512xi32, #tpu.memory_space<vmem>>, vector<16xi32>,
    %get3A_743 = vector.shape_cast %get3A_742 : vector<16xi32> to vector<16xi32>
    %shift_right_arithmetic3A_744 = arith.constant 14 : i32
    %shift_right_arithmetic3A_745 = vector.broadcast %shift_right_arithmetic3A_744 : i32 to vector<16xi32>
    %shift_right_arithmetic3A_746 = arith.shrsi %get3A_743, %shift_right_arithmetic3A_745 : vector<16xi32>
    %shift_left3A_747 = arith.constant 12 : i32
    %shift_left3A_748 = vector.broadcast %shift_left3A_747 : i32 to vector<16xi32>
    %shift_left3A_749 = arith.shli %shift_right_arithmetic3A_746, %shift_left3A_748 : vector<16xi32>
    %and3A_750 = arith.constant 4095 : i32
    %and3A_751 = vector.broadcast %and3A_750 : i32 to vector<16xi32>
    %and3A_752 = arith.andi %get3A_743, %and3A_751 : vector<16xi32>
    %or3A_753 = arith.ori %shift_left3A_749, %and3A_752 : vector<16xi32>
    %swap3A_754 = arith.constant 496 : index
    %swap3A_755 = tpu.vector_load %arg8[%swap3A_754] {strides = array<i32>} : memref<512xi32, #tpu.memory_space<vmem>>, vector<16xi32>,
    %swap3A_756 = vector.shape_cast %swap3A_755 : vector<16xi32> to vector<16xi32>
    %swap3A_757 = vector.shape_cast %or3A_753 : vector<16xi32> to vector<16xi32>
    tpu.vector_store %arg8[%swap3A_754], %swap3A_757 {strides = array<i32>} : memref<512xi32, #tpu.memory_space<vmem>>, vector<16xi32>,
    %shift_right_arithmetic3A_758 = arith.constant 7 : i32
    %shift_right_arithmetic3A_759 = vector.broadcast %shift_right_arithmetic3A_758 : i32 to vector<16xi32>
    %shift_right_arithmetic3A_760 = arith.shrsi %get3A_743, %shift_right_arithmetic3A_759 : vector<16xi32>
    %swap3A_761 = arith.constant 496 : index
    %swap3A_762 = tpu.vector_load %arg9[%swap3A_761] {strides = array<i32>} : memref<512xi32, #tpu.memory_space<vmem>>, vector<16xi32>,
    %swap3A_763 = vector.shape_cast %swap3A_762 : vector<16xi32> to vector<16xi32>
    %swap3A_764 = vector.shape_cast %shift_right_arithmetic3A_760 : vector<16xi32> to vector<16xi32>
    tpu.vector_store %arg9[%swap3A_761], %swap3A_764 {strides = array<i32>} : memref<512xi32, #tpu.memory_space<vmem>>, vector<16xi32>,
    %dma_start3A = arith.constant 0 : i32
    %dma_start3A_765 = arith.constant 0 : i32
    %dma_start3A_766 = tpu.memref_slice %arg3[%dma_start3A, %dma_start3A_765] : memref<253952x128xf32, #tpu.memory_space<hbm>> -> memref<253952x128xf32, #tpu.memory_space<hbm>>
    tpu.enqueue_indirect_dma source(%dma_start3A_766 : memref<253952x128xf32, #tpu.memory_space<hbm>>) target(%arg10 : memref<512x128xf32, #tpu.memory_space<vmem>>) offsets(%arg8 : memref<512xi32, #tpu.memory_space<vmem>>) semaphore(%arg11 : memref<!tpu.dma_semaphore, #tpu.memory_space<semaphore_mem>>)
    %dma_wait3A = arith.constant 0 : i32
    %dma_wait3A_767 = arith.constant 0 : i32
    %dma_wait3A_768 = tpu.memref_slice %arg3[%dma_wait3A, %dma_wait3A_767] : memref<253952x128xf32, #tpu.memory_space<hbm>> -> memref<253952x128xf32, #tpu.memory_space<hbm>>
    tpu.wait_indirect_dma semaphore(%arg11 : memref<!tpu.dma_semaphore, #tpu.memory_space<semaphore_mem>>) src(%dma_wait3A_768 : memref<253952x128xf32, #tpu.memory_space<hbm>>) dst(%arg10 : memref<512x128xf32, #tpu.memory_space<vmem>>)
    "tpu.region"() ({
      %run_scoped3A = tpu.sem_alloc : memref<!tpu.dma_semaphore, #tpu.memory_space<semaphore_mem>>
      %dma_start3A_775 = arith.constant 0 : i32
      %dma_start3A_776 = tpu.memref_slice %arg5[%mul3A_2, %dma_start3A_775] : memref<16384x128xf32, #tpu.memory_space<hbm>> -> memref<512x128xf32, #tpu.memory_space<hbm>>
      %dma_start3A_777 = arith.constant 0 : i32
      %dma_start3A_778 = tpu.memref_slice %arg5[%mul3A_2, %dma_start3A_777] : memref<16384x128xf32, #tpu.memory_space<hbm>> -> memref<512x128xf32, #tpu.memory_space<hbm>>
      tpu.enqueue_dma source(%arg10 : memref<512x128xf32, #tpu.memory_space<vmem>>) target(%dma_start3A_778 : memref<512x128xf32, #tpu.memory_space<hbm>>) target_semaphore(%run_scoped3A : memref<!tpu.dma_semaphore, #tpu.memory_space<semaphore_mem>>)
      %dma_wait3A_779 = arith.constant 0 : i32
      %dma_wait3A_780 = tpu.memref_slice %arg5[%mul3A_2, %dma_wait3A_779] : memref<16384x128xf32, #tpu.memory_space<hbm>> -> memref<512x128xf32, #tpu.memory_space<hbm>>
      %dma_wait3A_781 = arith.constant 0 : i32
      %dma_wait3A_782 = tpu.memref_slice %arg5[%mul3A_2, %dma_wait3A_781] : memref<16384x128xf32, #tpu.memory_space<hbm>> -> memref<512x128xf32, #tpu.memory_space<hbm>>
      tpu.wait_dma2 semaphore(%run_scoped3A : memref<!tpu.dma_semaphore, #tpu.memory_space<semaphore_mem>>) src(%arg10 : memref<512x128xf32, #tpu.memory_space<vmem>>) dst(%dma_wait3A_782 : memref<512x128xf32, #tpu.memory_space<hbm>>)
      tpu.yield
    }) : () -> ()
    %dma_start3A_769 = arith.constant 0 : i32
    %dma_start3A_770 = arith.constant 0 : i32
    %dma_start3A_771 = tpu.memref_slice %arg4[%dma_start3A_769, %dma_start3A_770] : memref<7936x128xf32, #tpu.memory_space<hbm>> -> memref<7936x128xf32, #tpu.memory_space<hbm>>
    tpu.enqueue_indirect_dma source(%dma_start3A_771 : memref<7936x128xf32, #tpu.memory_space<hbm>>) target(%arg10 : memref<512x128xf32, #tpu.memory_space<vmem>>) offsets(%arg9 : memref<512xi32, #tpu.memory_space<vmem>>) semaphore(%arg11 : memref<!tpu.dma_semaphore, #tpu.memory_space<semaphore_mem>>)
    %dma_wait3A_772 = arith.constant 0 : i32
    %dma_wait3A_773 = arith.constant 0 : i32
    %dma_wait3A_774 = tpu.memref_slice %arg4[%dma_wait3A_772, %dma_wait3A_773] : memref<7936x128xf32, #tpu.memory_space<hbm>> -> memref<7936x128xf32, #tpu.memory_space<hbm>>
    tpu.wait_indirect_dma semaphore(%arg11 : memref<!tpu.dma_semaphore, #tpu.memory_space<semaphore_mem>>) src(%dma_wait3A_774 : memref<7936x128xf32, #tpu.memory_space<hbm>>) dst(%arg10 : memref<512x128xf32, #tpu.memory_space<vmem>>)
    "tpu.region"() ({
      %run_scoped3A = tpu.sem_alloc : memref<!tpu.dma_semaphore, #tpu.memory_space<semaphore_mem>>
      %dma_start3A_775 = arith.constant 0 : i32
      %dma_start3A_776 = tpu.memref_slice %arg6[%mul3A_2, %dma_start3A_775] : memref<16384x128xf32, #tpu.memory_space<hbm>> -> memref<512x128xf32, #tpu.memory_space<hbm>>
      %dma_start3A_777 = arith.constant 0 : i32
      %dma_start3A_778 = tpu.memref_slice %arg6[%mul3A_2, %dma_start3A_777] : memref<16384x128xf32, #tpu.memory_space<hbm>> -> memref<512x128xf32, #tpu.memory_space<hbm>>
      tpu.enqueue_dma source(%arg10 : memref<512x128xf32, #tpu.memory_space<vmem>>) target(%dma_start3A_778 : memref<512x128xf32, #tpu.memory_space<hbm>>) target_semaphore(%run_scoped3A : memref<!tpu.dma_semaphore, #tpu.memory_space<semaphore_mem>>)
      %dma_wait3A_779 = arith.constant 0 : i32
      %dma_wait3A_780 = tpu.memref_slice %arg6[%mul3A_2, %dma_wait3A_779] : memref<16384x128xf32, #tpu.memory_space<hbm>> -> memref<512x128xf32, #tpu.memory_space<hbm>>
      %dma_wait3A_781 = arith.constant 0 : i32
      %dma_wait3A_782 = tpu.memref_slice %arg6[%mul3A_2, %dma_wait3A_781] : memref<16384x128xf32, #tpu.memory_space<hbm>> -> memref<512x128xf32, #tpu.memory_space<hbm>>
      tpu.wait_dma2 semaphore(%run_scoped3A : memref<!tpu.dma_semaphore, #tpu.memory_space<semaphore_mem>>) src(%arg10 : memref<512x128xf32, #tpu.memory_space<vmem>>) dst(%dma_wait3A_782 : memref<512x128xf32, #tpu.memory_space<hbm>>)
      tpu.yield
    }) : () -> ()
    return
  }
}

module attributes {stable_mosaic.version = 14 : i64} {
  func.func @_transpose_body(%arg0: i32, %arg1: memref<64x16384xf32, #tpu.memory_space<vmem>>, %arg2: memref<1x16384xf32, #tpu.memory_space<vmem>>, %arg3: memref<4096x128xf32, #tpu.memory_space<vmem>>, %arg4: memref<128x128xf32, #tpu.memory_space<vmem>>) attributes {dimension_semantics = [#tpu.dimension_semantics<arbitrary>], iteration_bounds = array<i64: 62>, scalar_prefetch = 0 : i64, scratch_operands = 0 : i64, tpu.core_type = #tpu.core_type<tc>, window_params = [{transform_indices = @transform_0, window_bounds = array<i64: 64, 16384>}, {transform_indices = @transform_1, window_bounds = array<i64: 1, 16384>}, {transform_indices = @transform_2, window_bounds = array<i64: 4096, 128>}, {transform_indices = @transform_3, window_bounds = array<i64: 128, 128>}]} {
    %get3A = arith.constant 0 : index
    %get3A_0 = arith.constant 0 : index
    %get3A_1 = vector.load %arg2[%get3A, %get3A_0] : memref<1x16384xf32, #tpu.memory_space<vmem>>, vector<1x16384xf32>
    %slice3A = vector.extract_strided_slice %get3A_1 {offsets = [0, 0], sizes = [1, 128], strides = [1, 1]} : vector<1x16384xf32> to vector<1x128xf32>
    %slice3A_2 = vector.extract_strided_slice %get3A_1 {offsets = [0, 128], sizes = [1, 128], strides = [1, 1]} : vector<1x16384xf32> to vector<1x128xf32>
    %slice3A_3 = vector.extract_strided_slice %get3A_1 {offsets = [0, 256], sizes = [1, 128], strides = [1, 1]} : vector<1x16384xf32> to vector<1x128xf32>
    %slice3A_4 = vector.extract_strided_slice %get3A_1 {offsets = [0, 384], sizes = [1, 128], strides = [1, 1]} : vector<1x16384xf32> to vector<1x128xf32>
    %slice3A_5 = vector.extract_strided_slice %get3A_1 {offsets = [0, 512], sizes = [1, 128], strides = [1, 1]} : vector<1x16384xf32> to vector<1x128xf32>
    %slice3A_6 = vector.extract_strided_slice %get3A_1 {offsets = [0, 640], sizes = [1, 128], strides = [1, 1]} : vector<1x16384xf32> to vector<1x128xf32>
    %slice3A_7 = vector.extract_strided_slice %get3A_1 {offsets = [0, 768], sizes = [1, 128], strides = [1, 1]} : vector<1x16384xf32> to vector<1x128xf32>
    %slice3A_8 = vector.extract_strided_slice %get3A_1 {offsets = [0, 896], sizes = [1, 128], strides = [1, 1]} : vector<1x16384xf32> to vector<1x128xf32>
    %slice3A_9 = vector.extract_strided_slice %get3A_1 {offsets = [0, 1024], sizes = [1, 128], strides = [1, 1]} : vector<1x16384xf32> to vector<1x128xf32>
    %slice3A_10 = vector.extract_strided_slice %get3A_1 {offsets = [0, 1152], sizes = [1, 128], strides = [1, 1]} : vector<1x16384xf32> to vector<1x128xf32>
    %slice3A_11 = vector.extract_strided_slice %get3A_1 {offsets = [0, 1280], sizes = [1, 128], strides = [1, 1]} : vector<1x16384xf32> to vector<1x128xf32>
    %slice3A_12 = vector.extract_strided_slice %get3A_1 {offsets = [0, 1408], sizes = [1, 128], strides = [1, 1]} : vector<1x16384xf32> to vector<1x128xf32>
    %slice3A_13 = vector.extract_strided_slice %get3A_1 {offsets = [0, 1536], sizes = [1, 128], strides = [1, 1]} : vector<1x16384xf32> to vector<1x128xf32>
    %slice3A_14 = vector.extract_strided_slice %get3A_1 {offsets = [0, 1664], sizes = [1, 128], strides = [1, 1]} : vector<1x16384xf32> to vector<1x128xf32>
    %slice3A_15 = vector.extract_strided_slice %get3A_1 {offsets = [0, 1792], sizes = [1, 128], strides = [1, 1]} : vector<1x16384xf32> to vector<1x128xf32>
    %slice3A_16 = vector.extract_strided_slice %get3A_1 {offsets = [0, 1920], sizes = [1, 128], strides = [1, 1]} : vector<1x16384xf32> to vector<1x128xf32>
    %slice3A_17 = vector.extract_strided_slice %get3A_1 {offsets = [0, 2048], sizes = [1, 128], strides = [1, 1]} : vector<1x16384xf32> to vector<1x128xf32>
    %slice3A_18 = vector.extract_strided_slice %get3A_1 {offsets = [0, 2176], sizes = [1, 128], strides = [1, 1]} : vector<1x16384xf32> to vector<1x128xf32>
    %slice3A_19 = vector.extract_strided_slice %get3A_1 {offsets = [0, 2304], sizes = [1, 128], strides = [1, 1]} : vector<1x16384xf32> to vector<1x128xf32>
    %slice3A_20 = vector.extract_strided_slice %get3A_1 {offsets = [0, 2432], sizes = [1, 128], strides = [1, 1]} : vector<1x16384xf32> to vector<1x128xf32>
    %slice3A_21 = vector.extract_strided_slice %get3A_1 {offsets = [0, 2560], sizes = [1, 128], strides = [1, 1]} : vector<1x16384xf32> to vector<1x128xf32>
    %slice3A_22 = vector.extract_strided_slice %get3A_1 {offsets = [0, 2688], sizes = [1, 128], strides = [1, 1]} : vector<1x16384xf32> to vector<1x128xf32>
    %slice3A_23 = vector.extract_strided_slice %get3A_1 {offsets = [0, 2816], sizes = [1, 128], strides = [1, 1]} : vector<1x16384xf32> to vector<1x128xf32>
    %slice3A_24 = vector.extract_strided_slice %get3A_1 {offsets = [0, 2944], sizes = [1, 128], strides = [1, 1]} : vector<1x16384xf32> to vector<1x128xf32>
    %slice3A_25 = vector.extract_strided_slice %get3A_1 {offsets = [0, 3072], sizes = [1, 128], strides = [1, 1]} : vector<1x16384xf32> to vector<1x128xf32>
    %slice3A_26 = vector.extract_strided_slice %get3A_1 {offsets = [0, 3200], sizes = [1, 128], strides = [1, 1]} : vector<1x16384xf32> to vector<1x128xf32>
    %slice3A_27 = vector.extract_strided_slice %get3A_1 {offsets = [0, 3328], sizes = [1, 128], strides = [1, 1]} : vector<1x16384xf32> to vector<1x128xf32>
    %slice3A_28 = vector.extract_strided_slice %get3A_1 {offsets = [0, 3456], sizes = [1, 128], strides = [1, 1]} : vector<1x16384xf32> to vector<1x128xf32>
    %slice3A_29 = vector.extract_strided_slice %get3A_1 {offsets = [0, 3584], sizes = [1, 128], strides = [1, 1]} : vector<1x16384xf32> to vector<1x128xf32>
    %slice3A_30 = vector.extract_strided_slice %get3A_1 {offsets = [0, 3712], sizes = [1, 128], strides = [1, 1]} : vector<1x16384xf32> to vector<1x128xf32>
    %slice3A_31 = vector.extract_strided_slice %get3A_1 {offsets = [0, 3840], sizes = [1, 128], strides = [1, 1]} : vector<1x16384xf32> to vector<1x128xf32>
    %slice3A_32 = vector.extract_strided_slice %get3A_1 {offsets = [0, 3968], sizes = [1, 128], strides = [1, 1]} : vector<1x16384xf32> to vector<1x128xf32>
    %slice3A_33 = vector.extract_strided_slice %get3A_1 {offsets = [0, 4096], sizes = [1, 128], strides = [1, 1]} : vector<1x16384xf32> to vector<1x128xf32>
    %slice3A_34 = vector.extract_strided_slice %get3A_1 {offsets = [0, 4224], sizes = [1, 128], strides = [1, 1]} : vector<1x16384xf32> to vector<1x128xf32>
    %slice3A_35 = vector.extract_strided_slice %get3A_1 {offsets = [0, 4352], sizes = [1, 128], strides = [1, 1]} : vector<1x16384xf32> to vector<1x128xf32>
    %slice3A_36 = vector.extract_strided_slice %get3A_1 {offsets = [0, 4480], sizes = [1, 128], strides = [1, 1]} : vector<1x16384xf32> to vector<1x128xf32>
    %slice3A_37 = vector.extract_strided_slice %get3A_1 {offsets = [0, 4608], sizes = [1, 128], strides = [1, 1]} : vector<1x16384xf32> to vector<1x128xf32>
    %slice3A_38 = vector.extract_strided_slice %get3A_1 {offsets = [0, 4736], sizes = [1, 128], strides = [1, 1]} : vector<1x16384xf32> to vector<1x128xf32>
    %slice3A_39 = vector.extract_strided_slice %get3A_1 {offsets = [0, 4864], sizes = [1, 128], strides = [1, 1]} : vector<1x16384xf32> to vector<1x128xf32>
    %slice3A_40 = vector.extract_strided_slice %get3A_1 {offsets = [0, 4992], sizes = [1, 128], strides = [1, 1]} : vector<1x16384xf32> to vector<1x128xf32>
    %slice3A_41 = vector.extract_strided_slice %get3A_1 {offsets = [0, 5120], sizes = [1, 128], strides = [1, 1]} : vector<1x16384xf32> to vector<1x128xf32>
    %slice3A_42 = vector.extract_strided_slice %get3A_1 {offsets = [0, 5248], sizes = [1, 128], strides = [1, 1]} : vector<1x16384xf32> to vector<1x128xf32>
    %slice3A_43 = vector.extract_strided_slice %get3A_1 {offsets = [0, 5376], sizes = [1, 128], strides = [1, 1]} : vector<1x16384xf32> to vector<1x128xf32>
    %slice3A_44 = vector.extract_strided_slice %get3A_1 {offsets = [0, 5504], sizes = [1, 128], strides = [1, 1]} : vector<1x16384xf32> to vector<1x128xf32>
    %slice3A_45 = vector.extract_strided_slice %get3A_1 {offsets = [0, 5632], sizes = [1, 128], strides = [1, 1]} : vector<1x16384xf32> to vector<1x128xf32>
    %slice3A_46 = vector.extract_strided_slice %get3A_1 {offsets = [0, 5760], sizes = [1, 128], strides = [1, 1]} : vector<1x16384xf32> to vector<1x128xf32>
    %slice3A_47 = vector.extract_strided_slice %get3A_1 {offsets = [0, 5888], sizes = [1, 128], strides = [1, 1]} : vector<1x16384xf32> to vector<1x128xf32>
    %slice3A_48 = vector.extract_strided_slice %get3A_1 {offsets = [0, 6016], sizes = [1, 128], strides = [1, 1]} : vector<1x16384xf32> to vector<1x128xf32>
    %slice3A_49 = vector.extract_strided_slice %get3A_1 {offsets = [0, 6144], sizes = [1, 128], strides = [1, 1]} : vector<1x16384xf32> to vector<1x128xf32>
    %slice3A_50 = vector.extract_strided_slice %get3A_1 {offsets = [0, 6272], sizes = [1, 128], strides = [1, 1]} : vector<1x16384xf32> to vector<1x128xf32>
    %slice3A_51 = vector.extract_strided_slice %get3A_1 {offsets = [0, 6400], sizes = [1, 128], strides = [1, 1]} : vector<1x16384xf32> to vector<1x128xf32>
    %slice3A_52 = vector.extract_strided_slice %get3A_1 {offsets = [0, 6528], sizes = [1, 128], strides = [1, 1]} : vector<1x16384xf32> to vector<1x128xf32>
    %slice3A_53 = vector.extract_strided_slice %get3A_1 {offsets = [0, 6656], sizes = [1, 128], strides = [1, 1]} : vector<1x16384xf32> to vector<1x128xf32>
    %slice3A_54 = vector.extract_strided_slice %get3A_1 {offsets = [0, 6784], sizes = [1, 128], strides = [1, 1]} : vector<1x16384xf32> to vector<1x128xf32>
    %slice3A_55 = vector.extract_strided_slice %get3A_1 {offsets = [0, 6912], sizes = [1, 128], strides = [1, 1]} : vector<1x16384xf32> to vector<1x128xf32>
    %slice3A_56 = vector.extract_strided_slice %get3A_1 {offsets = [0, 7040], sizes = [1, 128], strides = [1, 1]} : vector<1x16384xf32> to vector<1x128xf32>
    %slice3A_57 = vector.extract_strided_slice %get3A_1 {offsets = [0, 7168], sizes = [1, 128], strides = [1, 1]} : vector<1x16384xf32> to vector<1x128xf32>
    %slice3A_58 = vector.extract_strided_slice %get3A_1 {offsets = [0, 7296], sizes = [1, 128], strides = [1, 1]} : vector<1x16384xf32> to vector<1x128xf32>
    %slice3A_59 = vector.extract_strided_slice %get3A_1 {offsets = [0, 7424], sizes = [1, 128], strides = [1, 1]} : vector<1x16384xf32> to vector<1x128xf32>
    %slice3A_60 = vector.extract_strided_slice %get3A_1 {offsets = [0, 7552], sizes = [1, 128], strides = [1, 1]} : vector<1x16384xf32> to vector<1x128xf32>
    %slice3A_61 = vector.extract_strided_slice %get3A_1 {offsets = [0, 7680], sizes = [1, 128], strides = [1, 1]} : vector<1x16384xf32> to vector<1x128xf32>
    %slice3A_62 = vector.extract_strided_slice %get3A_1 {offsets = [0, 7808], sizes = [1, 128], strides = [1, 1]} : vector<1x16384xf32> to vector<1x128xf32>
    %slice3A_63 = vector.extract_strided_slice %get3A_1 {offsets = [0, 7936], sizes = [1, 128], strides = [1, 1]} : vector<1x16384xf32> to vector<1x128xf32>
    %slice3A_64 = vector.extract_strided_slice %get3A_1 {offsets = [0, 8064], sizes = [1, 128], strides = [1, 1]} : vector<1x16384xf32> to vector<1x128xf32>
    %slice3A_65 = vector.extract_strided_slice %get3A_1 {offsets = [0, 8192], sizes = [1, 128], strides = [1, 1]} : vector<1x16384xf32> to vector<1x128xf32>
    %slice3A_66 = vector.extract_strided_slice %get3A_1 {offsets = [0, 8320], sizes = [1, 128], strides = [1, 1]} : vector<1x16384xf32> to vector<1x128xf32>
    %slice3A_67 = vector.extract_strided_slice %get3A_1 {offsets = [0, 8448], sizes = [1, 128], strides = [1, 1]} : vector<1x16384xf32> to vector<1x128xf32>
    %slice3A_68 = vector.extract_strided_slice %get3A_1 {offsets = [0, 8576], sizes = [1, 128], strides = [1, 1]} : vector<1x16384xf32> to vector<1x128xf32>
    %slice3A_69 = vector.extract_strided_slice %get3A_1 {offsets = [0, 8704], sizes = [1, 128], strides = [1, 1]} : vector<1x16384xf32> to vector<1x128xf32>
    %slice3A_70 = vector.extract_strided_slice %get3A_1 {offsets = [0, 8832], sizes = [1, 128], strides = [1, 1]} : vector<1x16384xf32> to vector<1x128xf32>
    %slice3A_71 = vector.extract_strided_slice %get3A_1 {offsets = [0, 8960], sizes = [1, 128], strides = [1, 1]} : vector<1x16384xf32> to vector<1x128xf32>
    %slice3A_72 = vector.extract_strided_slice %get3A_1 {offsets = [0, 9088], sizes = [1, 128], strides = [1, 1]} : vector<1x16384xf32> to vector<1x128xf32>
    %slice3A_73 = vector.extract_strided_slice %get3A_1 {offsets = [0, 9216], sizes = [1, 128], strides = [1, 1]} : vector<1x16384xf32> to vector<1x128xf32>
    %slice3A_74 = vector.extract_strided_slice %get3A_1 {offsets = [0, 9344], sizes = [1, 128], strides = [1, 1]} : vector<1x16384xf32> to vector<1x128xf32>
    %slice3A_75 = vector.extract_strided_slice %get3A_1 {offsets = [0, 9472], sizes = [1, 128], strides = [1, 1]} : vector<1x16384xf32> to vector<1x128xf32>
    %slice3A_76 = vector.extract_strided_slice %get3A_1 {offsets = [0, 9600], sizes = [1, 128], strides = [1, 1]} : vector<1x16384xf32> to vector<1x128xf32>
    %slice3A_77 = vector.extract_strided_slice %get3A_1 {offsets = [0, 9728], sizes = [1, 128], strides = [1, 1]} : vector<1x16384xf32> to vector<1x128xf32>
    %slice3A_78 = vector.extract_strided_slice %get3A_1 {offsets = [0, 9856], sizes = [1, 128], strides = [1, 1]} : vector<1x16384xf32> to vector<1x128xf32>
    %slice3A_79 = vector.extract_strided_slice %get3A_1 {offsets = [0, 9984], sizes = [1, 128], strides = [1, 1]} : vector<1x16384xf32> to vector<1x128xf32>
    %slice3A_80 = vector.extract_strided_slice %get3A_1 {offsets = [0, 10112], sizes = [1, 128], strides = [1, 1]} : vector<1x16384xf32> to vector<1x128xf32>
    %slice3A_81 = vector.extract_strided_slice %get3A_1 {offsets = [0, 10240], sizes = [1, 128], strides = [1, 1]} : vector<1x16384xf32> to vector<1x128xf32>
    %slice3A_82 = vector.extract_strided_slice %get3A_1 {offsets = [0, 10368], sizes = [1, 128], strides = [1, 1]} : vector<1x16384xf32> to vector<1x128xf32>
    %slice3A_83 = vector.extract_strided_slice %get3A_1 {offsets = [0, 10496], sizes = [1, 128], strides = [1, 1]} : vector<1x16384xf32> to vector<1x128xf32>
    %slice3A_84 = vector.extract_strided_slice %get3A_1 {offsets = [0, 10624], sizes = [1, 128], strides = [1, 1]} : vector<1x16384xf32> to vector<1x128xf32>
    %slice3A_85 = vector.extract_strided_slice %get3A_1 {offsets = [0, 10752], sizes = [1, 128], strides = [1, 1]} : vector<1x16384xf32> to vector<1x128xf32>
    %slice3A_86 = vector.extract_strided_slice %get3A_1 {offsets = [0, 10880], sizes = [1, 128], strides = [1, 1]} : vector<1x16384xf32> to vector<1x128xf32>
    %slice3A_87 = vector.extract_strided_slice %get3A_1 {offsets = [0, 11008], sizes = [1, 128], strides = [1, 1]} : vector<1x16384xf32> to vector<1x128xf32>
    %slice3A_88 = vector.extract_strided_slice %get3A_1 {offsets = [0, 11136], sizes = [1, 128], strides = [1, 1]} : vector<1x16384xf32> to vector<1x128xf32>
    %slice3A_89 = vector.extract_strided_slice %get3A_1 {offsets = [0, 11264], sizes = [1, 128], strides = [1, 1]} : vector<1x16384xf32> to vector<1x128xf32>
    %slice3A_90 = vector.extract_strided_slice %get3A_1 {offsets = [0, 11392], sizes = [1, 128], strides = [1, 1]} : vector<1x16384xf32> to vector<1x128xf32>
    %slice3A_91 = vector.extract_strided_slice %get3A_1 {offsets = [0, 11520], sizes = [1, 128], strides = [1, 1]} : vector<1x16384xf32> to vector<1x128xf32>
    %slice3A_92 = vector.extract_strided_slice %get3A_1 {offsets = [0, 11648], sizes = [1, 128], strides = [1, 1]} : vector<1x16384xf32> to vector<1x128xf32>
    %slice3A_93 = vector.extract_strided_slice %get3A_1 {offsets = [0, 11776], sizes = [1, 128], strides = [1, 1]} : vector<1x16384xf32> to vector<1x128xf32>
    %slice3A_94 = vector.extract_strided_slice %get3A_1 {offsets = [0, 11904], sizes = [1, 128], strides = [1, 1]} : vector<1x16384xf32> to vector<1x128xf32>
    %slice3A_95 = vector.extract_strided_slice %get3A_1 {offsets = [0, 12032], sizes = [1, 128], strides = [1, 1]} : vector<1x16384xf32> to vector<1x128xf32>
    %slice3A_96 = vector.extract_strided_slice %get3A_1 {offsets = [0, 12160], sizes = [1, 128], strides = [1, 1]} : vector<1x16384xf32> to vector<1x128xf32>
    %slice3A_97 = vector.extract_strided_slice %get3A_1 {offsets = [0, 12288], sizes = [1, 128], strides = [1, 1]} : vector<1x16384xf32> to vector<1x128xf32>
    %slice3A_98 = vector.extract_strided_slice %get3A_1 {offsets = [0, 12416], sizes = [1, 128], strides = [1, 1]} : vector<1x16384xf32> to vector<1x128xf32>
    %slice3A_99 = vector.extract_strided_slice %get3A_1 {offsets = [0, 12544], sizes = [1, 128], strides = [1, 1]} : vector<1x16384xf32> to vector<1x128xf32>
    %slice3A_100 = vector.extract_strided_slice %get3A_1 {offsets = [0, 12672], sizes = [1, 128], strides = [1, 1]} : vector<1x16384xf32> to vector<1x128xf32>
    %slice3A_101 = vector.extract_strided_slice %get3A_1 {offsets = [0, 12800], sizes = [1, 128], strides = [1, 1]} : vector<1x16384xf32> to vector<1x128xf32>
    %slice3A_102 = vector.extract_strided_slice %get3A_1 {offsets = [0, 12928], sizes = [1, 128], strides = [1, 1]} : vector<1x16384xf32> to vector<1x128xf32>
    %slice3A_103 = vector.extract_strided_slice %get3A_1 {offsets = [0, 13056], sizes = [1, 128], strides = [1, 1]} : vector<1x16384xf32> to vector<1x128xf32>
    %slice3A_104 = vector.extract_strided_slice %get3A_1 {offsets = [0, 13184], sizes = [1, 128], strides = [1, 1]} : vector<1x16384xf32> to vector<1x128xf32>
    %slice3A_105 = vector.extract_strided_slice %get3A_1 {offsets = [0, 13312], sizes = [1, 128], strides = [1, 1]} : vector<1x16384xf32> to vector<1x128xf32>
    %slice3A_106 = vector.extract_strided_slice %get3A_1 {offsets = [0, 13440], sizes = [1, 128], strides = [1, 1]} : vector<1x16384xf32> to vector<1x128xf32>
    %slice3A_107 = vector.extract_strided_slice %get3A_1 {offsets = [0, 13568], sizes = [1, 128], strides = [1, 1]} : vector<1x16384xf32> to vector<1x128xf32>
    %slice3A_108 = vector.extract_strided_slice %get3A_1 {offsets = [0, 13696], sizes = [1, 128], strides = [1, 1]} : vector<1x16384xf32> to vector<1x128xf32>
    %slice3A_109 = vector.extract_strided_slice %get3A_1 {offsets = [0, 13824], sizes = [1, 128], strides = [1, 1]} : vector<1x16384xf32> to vector<1x128xf32>
    %slice3A_110 = vector.extract_strided_slice %get3A_1 {offsets = [0, 13952], sizes = [1, 128], strides = [1, 1]} : vector<1x16384xf32> to vector<1x128xf32>
    %slice3A_111 = vector.extract_strided_slice %get3A_1 {offsets = [0, 14080], sizes = [1, 128], strides = [1, 1]} : vector<1x16384xf32> to vector<1x128xf32>
    %slice3A_112 = vector.extract_strided_slice %get3A_1 {offsets = [0, 14208], sizes = [1, 128], strides = [1, 1]} : vector<1x16384xf32> to vector<1x128xf32>
    %slice3A_113 = vector.extract_strided_slice %get3A_1 {offsets = [0, 14336], sizes = [1, 128], strides = [1, 1]} : vector<1x16384xf32> to vector<1x128xf32>
    %slice3A_114 = vector.extract_strided_slice %get3A_1 {offsets = [0, 14464], sizes = [1, 128], strides = [1, 1]} : vector<1x16384xf32> to vector<1x128xf32>
    %slice3A_115 = vector.extract_strided_slice %get3A_1 {offsets = [0, 14592], sizes = [1, 128], strides = [1, 1]} : vector<1x16384xf32> to vector<1x128xf32>
    %slice3A_116 = vector.extract_strided_slice %get3A_1 {offsets = [0, 14720], sizes = [1, 128], strides = [1, 1]} : vector<1x16384xf32> to vector<1x128xf32>
    %slice3A_117 = vector.extract_strided_slice %get3A_1 {offsets = [0, 14848], sizes = [1, 128], strides = [1, 1]} : vector<1x16384xf32> to vector<1x128xf32>
    %slice3A_118 = vector.extract_strided_slice %get3A_1 {offsets = [0, 14976], sizes = [1, 128], strides = [1, 1]} : vector<1x16384xf32> to vector<1x128xf32>
    %slice3A_119 = vector.extract_strided_slice %get3A_1 {offsets = [0, 15104], sizes = [1, 128], strides = [1, 1]} : vector<1x16384xf32> to vector<1x128xf32>
    %slice3A_120 = vector.extract_strided_slice %get3A_1 {offsets = [0, 15232], sizes = [1, 128], strides = [1, 1]} : vector<1x16384xf32> to vector<1x128xf32>
    %slice3A_121 = vector.extract_strided_slice %get3A_1 {offsets = [0, 15360], sizes = [1, 128], strides = [1, 1]} : vector<1x16384xf32> to vector<1x128xf32>
    %slice3A_122 = vector.extract_strided_slice %get3A_1 {offsets = [0, 15488], sizes = [1, 128], strides = [1, 1]} : vector<1x16384xf32> to vector<1x128xf32>
    %slice3A_123 = vector.extract_strided_slice %get3A_1 {offsets = [0, 15616], sizes = [1, 128], strides = [1, 1]} : vector<1x16384xf32> to vector<1x128xf32>
    %slice3A_124 = vector.extract_strided_slice %get3A_1 {offsets = [0, 15744], sizes = [1, 128], strides = [1, 1]} : vector<1x16384xf32> to vector<1x128xf32>
    %slice3A_125 = vector.extract_strided_slice %get3A_1 {offsets = [0, 15872], sizes = [1, 128], strides = [1, 1]} : vector<1x16384xf32> to vector<1x128xf32>
    %slice3A_126 = vector.extract_strided_slice %get3A_1 {offsets = [0, 16000], sizes = [1, 128], strides = [1, 1]} : vector<1x16384xf32> to vector<1x128xf32>
    %slice3A_127 = vector.extract_strided_slice %get3A_1 {offsets = [0, 16128], sizes = [1, 128], strides = [1, 1]} : vector<1x16384xf32> to vector<1x128xf32>
    %slice3A_128 = vector.extract_strided_slice %get3A_1 {offsets = [0, 16256], sizes = [1, 128], strides = [1, 1]} : vector<1x16384xf32> to vector<1x128xf32>
    %concatenate3A = tpu.concatenate %slice3A, %slice3A_2, %slice3A_3, %slice3A_4, %slice3A_5, %slice3A_6, %slice3A_7, %slice3A_8, %slice3A_9, %slice3A_10, %slice3A_11, %slice3A_12, %slice3A_13, %slice3A_14, %slice3A_15, %slice3A_16, %slice3A_17, %slice3A_18, %slice3A_19, %slice3A_20, %slice3A_21, %slice3A_22, %slice3A_23, %slice3A_24, %slice3A_25, %slice3A_26, %slice3A_27, %slice3A_28, %slice3A_29, %slice3A_30, %slice3A_31, %slice3A_32, %slice3A_33, %slice3A_34, %slice3A_35, %slice3A_36, %slice3A_37, %slice3A_38, %slice3A_39, %slice3A_40, %slice3A_41, %slice3A_42, %slice3A_43, %slice3A_44, %slice3A_45, %slice3A_46, %slice3A_47, %slice3A_48, %slice3A_49, %slice3A_50, %slice3A_51, %slice3A_52, %slice3A_53, %slice3A_54, %slice3A_55, %slice3A_56, %slice3A_57, %slice3A_58, %slice3A_59, %slice3A_60, %slice3A_61, %slice3A_62, %slice3A_63, %slice3A_64, %slice3A_65, %slice3A_66, %slice3A_67, %slice3A_68, %slice3A_69, %slice3A_70, %slice3A_71, %slice3A_72, %slice3A_73, %slice3A_74, %slice3A_75, %slice3A_76, %slice3A_77, %slice3A_78, %slice3A_79, %slice3A_80, %slice3A_81, %slice3A_82, %slice3A_83, %slice3A_84, %slice3A_85, %slice3A_86, %slice3A_87, %slice3A_88, %slice3A_89, %slice3A_90, %slice3A_91, %slice3A_92, %slice3A_93, %slice3A_94, %slice3A_95, %slice3A_96, %slice3A_97, %slice3A_98, %slice3A_99, %slice3A_100, %slice3A_101, %slice3A_102, %slice3A_103, %slice3A_104, %slice3A_105, %slice3A_106, %slice3A_107, %slice3A_108, %slice3A_109, %slice3A_110, %slice3A_111, %slice3A_112, %slice3A_113, %slice3A_114, %slice3A_115, %slice3A_116, %slice3A_117, %slice3A_118, %slice3A_119, %slice3A_120, %slice3A_121, %slice3A_122, %slice3A_123, %slice3A_124, %slice3A_125, %slice3A_126, %slice3A_127, %slice3A_128 in 0 : vector<1x128xf32>, vector<1x128xf32>, vector<1x128xf32>, vector<1x128xf32>, vector<1x128xf32>, vector<1x128xf32>, vector<1x128xf32>, vector<1x128xf32>, vector<1x128xf32>, vector<1x128xf32>, vector<1x128xf32>, vector<1x128xf32>, vector<1x128xf32>, vector<1x128xf32>, vector<1x128xf32>, vector<1x128xf32>, vector<1x128xf32>, vector<1x128xf32>, vector<1x128xf32>, vector<1x128xf32>, vector<1x128xf32>, vector<1x128xf32>, vector<1x128xf32>, vector<1x128xf32>, vector<1x128xf32>, vector<1x128xf32>, vector<1x128xf32>, vector<1x128xf32>, vector<1x128xf32>, vector<1x128xf32>, vector<1x128xf32>, vector<1x128xf32>, vector<1x128xf32>, vector<1x128xf32>, vector<1x128xf32>, vector<1x128xf32>, vector<1x128xf32>, vector<1x128xf32>, vector<1x128xf32>, vector<1x128xf32>, vector<1x128xf32>, vector<1x128xf32>, vector<1x128xf32>, vector<1x128xf32>, vector<1x128xf32>, vector<1x128xf32>, vector<1x128xf32>, vector<1x128xf32>, vector<1x128xf32>, vector<1x128xf32>, vector<1x128xf32>, vector<1x128xf32>, vector<1x128xf32>, vector<1x128xf32>, vector<1x128xf32>, vector<1x128xf32>, vector<1x128xf32>, vector<1x128xf32>, vector<1x128xf32>, vector<1x128xf32>, vector<1x128xf32>, vector<1x128xf32>, vector<1x128xf32>, vector<1x128xf32>, vector<1x128xf32>, vector<1x128xf32>, vector<1x128xf32>, vector<1x128xf32>, vector<1x128xf32>, vector<1x128xf32>, vector<1x128xf32>, vector<1x128xf32>, vector<1x128xf32>, vector<1x128xf32>, vector<1x128xf32>, vector<1x128xf32>, vector<1x128xf32>, vector<1x128xf32>, vector<1x128xf32>, vector<1x128xf32>, vector<1x128xf32>, vector<1x128xf32>, vector<1x128xf32>, vector<1x128xf32>, vector<1x128xf32>, vector<1x128xf32>, vector<1x128xf32>, vector<1x128xf32>, vector<1x128xf32>, vector<1x128xf32>, vector<1x128xf32>, vector<1x128xf32>, vector<1x128xf32>, vector<1x128xf32>, vector<1x128xf32>, vector<1x128xf32>, vector<1x128xf32>, vector<1x128xf32>, vector<1x128xf32>, vector<1x128xf32>, vector<1x128xf32>, vector<1x128xf32>, vector<1x128xf32>, vector<1x128xf32>, vector<1x128xf32>, vector<1x128xf32>, vector<1x128xf32>, vector<1x128xf32>, vector<1x128xf32>, vector<1x128xf32>, vector<1x128xf32>, vector<1x128xf32>, vector<1x128xf32>, vector<1x128xf32>, vector<1x128xf32>, vector<1x128xf32>, vector<1x128xf32>, vector<1x128xf32>, vector<1x128xf32>, vector<1x128xf32>, vector<1x128xf32>, vector<1x128xf32>, vector<1x128xf32>, vector<1x128xf32>, vector<1x128xf32>, vector<1x128xf32>, vector<1x128xf32>, vector<1x128xf32> -> vector<128x128xf32>
    %swap3A = arith.constant 0 : index
    %swap3A_129 = arith.constant 0 : index
    %swap3A_130 = vector.load %arg4[%swap3A, %swap3A_129] : memref<128x128xf32, #tpu.memory_space<vmem>>, vector<128x128xf32>
    tpu.vector_store %arg4[%swap3A, %swap3A_129], %concatenate3A {strides = array<i32>} : memref<128x128xf32, #tpu.memory_space<vmem>>, vector<128x128xf32>,
    %get3A_131 = arith.constant 0 : index
    %get3A_132 = arith.constant 0 : index
    %get3A_133 = vector.load %arg1[%get3A_131, %get3A_132] : memref<64x16384xf32, #tpu.memory_space<vmem>>, vector<64x16384xf32>
    %transpose3A = tpu.transpose %get3A_133, [1, 0] : vector<64x16384xf32> -> vector<16384x64xf32>
    %bitcast_convert_type3A = tpu.bitcast %transpose3A : vector<16384x64xf32> -> vector<16384x64xi32>
    %add3A = arith.constant 32768 : i32
    %add3A_134 = vector.broadcast %add3A : i32 to vector<16384x64xi32>
    %add3A_135 = arith.addi %bitcast_convert_type3A, %add3A_134 : vector<16384x64xi32>
    %shift_right_logical3A = arith.constant 16 : i32
    %shift_right_logical3A_136 = vector.broadcast %shift_right_logical3A : i32 to vector<16384x64xi32>
    %shift_right_logical3A_137 = arith.shrui %add3A_135, %shift_right_logical3A_136 : vector<16384x64xi32>
    %slice3A_138 = vector.extract_strided_slice %shift_right_logical3A_137 {offsets = [0, 0], sizes = [4096, 64], strides = [1, 1]} : vector<16384x64xi32> to vector<4096x64xi32>
    %slice3A_139 = vector.extract_strided_slice %shift_right_logical3A_137 {offsets = [4096, 0], sizes = [4096, 64], strides = [1, 1]} : vector<16384x64xi32> to vector<4096x64xi32>
    %shift_left3A = arith.constant 16 : i32
    %shift_left3A_140 = vector.broadcast %shift_left3A : i32 to vector<4096x64xi32>
    %shift_left3A_141 = arith.shli %slice3A_139, %shift_left3A_140 : vector<4096x64xi32>
    %or3A = arith.ori %slice3A_138, %shift_left3A_141 : vector<4096x64xi32>
    %slice3A_142 = vector.extract_strided_slice %shift_right_logical3A_137 {offsets = [8192, 0], sizes = [4096, 64], strides = [1, 1]} : vector<16384x64xi32> to vector<4096x64xi32>
    %slice3A_143 = vector.extract_strided_slice %shift_right_logical3A_137 {offsets = [12288, 0], sizes = [4096, 64], strides = [1, 1]} : vector<16384x64xi32> to vector<4096x64xi32>
    %shift_left3A_144 = arith.constant 16 : i32
    %shift_left3A_145 = vector.broadcast %shift_left3A_144 : i32 to vector<4096x64xi32>
    %shift_left3A_146 = arith.shli %slice3A_143, %shift_left3A_145 : vector<4096x64xi32>
    %or3A_147 = arith.ori %slice3A_142, %shift_left3A_146 : vector<4096x64xi32>
    %concatenate3A_148 = tpu.concatenate %or3A, %or3A_147 in 1 : vector<4096x64xi32>, vector<4096x64xi32> -> vector<4096x128xi32>
    %bitcast_convert_type3A_149 = tpu.bitcast %concatenate3A_148 : vector<4096x128xi32> -> vector<4096x128xf32>
    %swap3A_150 = arith.constant 0 : index
    %swap3A_151 = arith.constant 0 : index
    %swap3A_152 = vector.load %arg3[%swap3A_150, %swap3A_151] : memref<4096x128xf32, #tpu.memory_space<vmem>>, vector<4096x128xf32>
    tpu.vector_store %arg3[%swap3A_150, %swap3A_151], %bitcast_convert_type3A_149 {strides = array<i32>} : memref<4096x128xf32, #tpu.memory_space<vmem>>, vector<4096x128xf32>,
    return
  }
  func.func @transform_0(%arg0: i32) -> (i32, i32) {
    %c0_i32 = arith.constant 0 : i32
    %c0_i32_0 = arith.constant 0 : i32
    return %c0_i32, %arg0 : i32, i32
  }
  func.func @transform_1(%arg0: i32) -> (i32, i32) {
    %c0_i32 = arith.constant 0 : i32
    %c0_i32_0 = arith.constant 0 : i32
    return %c0_i32, %arg0 : i32, i32
  }
  func.func @transform_2(%arg0: i32) -> (i32, i32) {
    %c0_i32 = arith.constant 0 : i32
    %c0_i32_0 = arith.constant 0 : i32
    return %arg0, %c0_i32 : i32, i32
  }
  func.func @transform_3(%arg0: i32) -> (i32, i32) {
    %c0_i32 = arith.constant 0 : i32
    %c0_i32_0 = arith.constant 0 : i32
    return %arg0, %c0_i32 : i32, i32
  }
}

module attributes {stable_mosaic.version = 14 : i64} {
  func.func @_combine_body(%arg0: i32, %arg1: memref<2048x256xf32, #tpu.memory_space<vmem>>, %arg2: memref<256x512xf32, #tpu.memory_space<vmem>>, %arg3: memref<1x512xf32, #tpu.memory_space<vmem>>, %arg4: memref<512x256xf32, #tpu.memory_space<vmem>>, %arg5: memref<1x256xf32, #tpu.memory_space<vmem>>, %arg6: memref<256x64xf32, #tpu.memory_space<vmem>>, %arg7: memref<1x64xf32, #tpu.memory_space<vmem>>, %arg8: memref<2048x128xf32, #tpu.memory_space<vmem>>, %arg9: memref<2048x128xf32, #tpu.memory_space<vmem>>, %arg10: memref<2048x1xi32, #tpu.memory_space<vmem>>, %arg11: memref<1x2048xf32, #tpu.memory_space<vmem>>, %arg12: memref<256x64xf32, #tpu.memory_space<vmem>>, %arg13: memref<1x64xf32, #tpu.memory_space<vmem>>) attributes {dimension_semantics = [#tpu.dimension_semantics<arbitrary>], iteration_bounds = array<i64: 8>, scalar_prefetch = 0 : i64, scratch_operands = 2 : i64, tpu.core_type = #tpu.core_type<tc>, window_params = [{transform_indices = @transform_0, window_bounds = array<i64: 2048, 256>}, {pipeline_mode = #tpu.pipeline_mode<synchronous>, transform_indices = @transform_1, window_bounds = array<i64: 256, 512>}, {pipeline_mode = #tpu.pipeline_mode<synchronous>, transform_indices = @transform_2, window_bounds = array<i64: 1, 512>}, {pipeline_mode = #tpu.pipeline_mode<synchronous>, transform_indices = @transform_3, window_bounds = array<i64: 512, 256>}, {pipeline_mode = #tpu.pipeline_mode<synchronous>, transform_indices = @transform_4, window_bounds = array<i64: 1, 256>}, {pipeline_mode = #tpu.pipeline_mode<synchronous>, transform_indices = @transform_5, window_bounds = array<i64: 256, 64>}, {pipeline_mode = #tpu.pipeline_mode<synchronous>, transform_indices = @transform_6, window_bounds = array<i64: 1, 64>}, {transform_indices = @transform_7, window_bounds = array<i64: 2048, 128>}, {transform_indices = @transform_8, window_bounds = array<i64: 2048, 128>}, {transform_indices = @transform_9, window_bounds = array<i64: 2048, 1>}, {transform_indices = @transform_10, window_bounds = array<i64: 1, 2048>}]} {
    %eq3A = arith.constant 0 : i32
    %eq3A_0 = arith.cmpi eq, %arg0, %eq3A : i32
    %convert_element_type3A = arith.extui %eq3A_0 : i1 to i32
    %cond3A = arith.constant 0 : i32
    %cond3A_1 = arith.cmpi ne, %convert_element_type3A, %cond3A : i32
    scf.if %cond3A_1 {
      %get3A_68 = arith.constant 0 : index
      %get3A_69 = arith.constant 0 : index
      %get3A_70 = vector.load %arg2[%get3A_68, %get3A_69] : memref<256x512xf32, #tpu.memory_space<vmem>>, vector<256x512xf32>
      %get3A_71 = arith.constant 0 : index
      %get3A_72 = arith.constant 0 : index
      %get3A_73 = vector.load %arg4[%get3A_71, %get3A_72] : memref<512x256xf32, #tpu.memory_space<vmem>>, vector<512x256xf32>
      %dot_general3A_74 = arith.constant dense<0.000000e+00> : vector<256x256xf32>
      %dot_general3A_75 = tpu.matmul %get3A_70, %get3A_73, %dot_general3A_74 {dimension_numbers = #tpu.dot_dimension_numbers<[1], [0], [0], [1], [0, 0, 1, 1], [], []>, transpose_lhs_hint = false} : vector<256x512xf32>, vector<512x256xf32>, vector<256x256xf32> -> vector<256x256xf32>
      %get3A_76 = arith.constant 0 : index
      %get3A_77 = arith.constant 0 : index
      %get3A_78 = vector.load %arg6[%get3A_76, %get3A_77] : memref<256x64xf32, #tpu.memory_space<vmem>>, vector<256x64xf32>
      %dot_general3A_79 = arith.constant dense<0.000000e+00> : vector<256x64xf32>
      %dot_general3A_80 = tpu.matmul %dot_general3A_75, %get3A_78, %dot_general3A_79 {dimension_numbers = #tpu.dot_dimension_numbers<[1], [0], [0], [1], [0, 0, 1, 1], [], []>, transpose_lhs_hint = false} : vector<256x256xf32>, vector<256x64xf32>, vector<256x64xf32> -> vector<256x64xf32>
      %swap3A_81 = arith.constant 0 : index
      %swap3A_82 = arith.constant 0 : index
      %swap3A_83 = vector.load %arg12[%swap3A_81, %swap3A_82] : memref<256x64xf32, #tpu.memory_space<vmem>>, vector<256x64xf32>
      tpu.vector_store %arg12[%swap3A_81, %swap3A_82], %dot_general3A_80 {strides = array<i32>} : memref<256x64xf32, #tpu.memory_space<vmem>>, vector<256x64xf32>,
      %get3A_84 = arith.constant 0 : index
      %get3A_85 = arith.constant 0 : index
      %get3A_86 = vector.load %arg3[%get3A_84, %get3A_85] : memref<1x512xf32, #tpu.memory_space<vmem>>, vector<1x512xf32>
      %get3A_87 = arith.constant 0 : index
      %get3A_88 = arith.constant 0 : index
      %get3A_89 = vector.load %arg4[%get3A_87, %get3A_88] : memref<512x256xf32, #tpu.memory_space<vmem>>, vector<512x256xf32>
      %dot_general3A_90 = arith.constant dense<0.000000e+00> : vector<1x256xf32>
      %dot_general3A_91 = tpu.matmul %get3A_86, %get3A_89, %dot_general3A_90 {dimension_numbers = #tpu.dot_dimension_numbers<[1], [0], [0], [1], [0, 0, 1, 1], [], []>, transpose_lhs_hint = false} : vector<1x512xf32>, vector<512x256xf32>, vector<1x256xf32> -> vector<1x256xf32>
      %get3A_92 = arith.constant 0 : index
      %get3A_93 = arith.constant 0 : index
      %get3A_94 = vector.load %arg5[%get3A_92, %get3A_93] : memref<1x256xf32, #tpu.memory_space<vmem>>, vector<1x256xf32>
      %add3A_95 = arith.addf %dot_general3A_91, %get3A_94 : vector<1x256xf32>
      %get3A_96 = arith.constant 0 : index
      %get3A_97 = arith.constant 0 : index
      %get3A_98 = vector.load %arg6[%get3A_96, %get3A_97] : memref<256x64xf32, #tpu.memory_space<vmem>>, vector<256x64xf32>
      %dot_general3A_99 = arith.constant dense<0.000000e+00> : vector<1x64xf32>
      %dot_general3A_100 = tpu.matmul %add3A_95, %get3A_98, %dot_general3A_99 {dimension_numbers = #tpu.dot_dimension_numbers<[1], [0], [0], [1], [0, 0, 1, 1], [], []>, transpose_lhs_hint = false} : vector<1x256xf32>, vector<256x64xf32>, vector<1x64xf32> -> vector<1x64xf32>
      %get3A_101 = arith.constant 0 : index
      %get3A_102 = arith.constant 0 : index
      %get3A_103 = vector.load %arg7[%get3A_101, %get3A_102] : memref<1x64xf32, #tpu.memory_space<vmem>>, vector<1x64xf32>
      %add3A_104 = arith.addf %dot_general3A_100, %get3A_103 : vector<1x64xf32>
      %swap3A_105 = arith.constant 0 : index
      %swap3A_106 = arith.constant 0 : index
      %swap3A_107 = vector.load %arg13[%swap3A_105, %swap3A_106] : memref<1x64xf32, #tpu.memory_space<vmem>>, vector<1x64xf32>
      tpu.vector_store %arg13[%swap3A_105, %swap3A_106], %add3A_104 {strides = array<i32>} : memref<1x64xf32, #tpu.memory_space<vmem>>, vector<1x64xf32>,
    } else {
    }
    %get3A = arith.constant 0 : index
    %get3A_2 = arith.constant 0 : index
    %get3A_3 = vector.load %arg10[%get3A, %get3A_2] : memref<2048x1xi32, #tpu.memory_space<vmem>>, vector<2048x1xi32>
    %get3A_4 = arith.constant 0 : index
    %get3A_5 = arith.constant 0 : index
    %get3A_6 = vector.load %arg8[%get3A_4, %get3A_5] : memref<2048x128xf32, #tpu.memory_space<vmem>>, vector<2048x128xf32>
    %bitcast_convert_type3A = tpu.bitcast %get3A_6 : vector<2048x128xf32> -> vector<2048x128xi32>
    %shift_right_arithmetic3A = arith.constant 13 : i32
    %shift_right_arithmetic3A_7 = vector.broadcast %shift_right_arithmetic3A : i32 to vector<2048x1xi32>
    %shift_right_arithmetic3A_8 = arith.shrsi %get3A_3, %shift_right_arithmetic3A_7 : vector<2048x1xi32>
    %and3A = arith.constant 1 : i32
    %and3A_9 = vector.broadcast %and3A : i32 to vector<2048x1xi32>
    %and3A_10 = arith.andi %shift_right_arithmetic3A_8, %and3A_9 : vector<2048x1xi32>
    %eq3A_11 = arith.constant 1 : i32
    %eq3A_12 = vector.broadcast %eq3A_11 : i32 to vector<2048x1xi32>
    %eq3A_13 = arith.cmpi eq, %and3A_10, %eq3A_12 : vector<2048x1xi32>
    %slice3A = vector.extract_strided_slice %bitcast_convert_type3A {offsets = [0, 64], sizes = [2048, 64], strides = [1, 1]} : vector<2048x128xi32> to vector<2048x64xi32>
    %slice3A_14 = vector.extract_strided_slice %bitcast_convert_type3A {offsets = [0, 0], sizes = [2048, 64], strides = [1, 1]} : vector<2048x128xi32> to vector<2048x64xi32>
    %broadcast_in_dim3A = vector.shape_cast %eq3A_13 : vector<2048x1xi1> to vector<2048x1xi1>
    %broadcast_in_dim3A_15 = vector.broadcast %broadcast_in_dim3A : vector<2048x1xi1> to vector<2048x64xi1>
    %select_n3A = arith.select %broadcast_in_dim3A_15, %slice3A, %slice3A_14 : vector<2048x64xi1>, vector<2048x64xi32>
    %shift_right_arithmetic3A_16 = arith.constant 12 : i32
    %shift_right_arithmetic3A_17 = vector.broadcast %shift_right_arithmetic3A_16 : i32 to vector<2048x1xi32>
    %shift_right_arithmetic3A_18 = arith.shrsi %get3A_3, %shift_right_arithmetic3A_17 : vector<2048x1xi32>
    %and3A_19 = arith.constant 1 : i32
    %and3A_20 = vector.broadcast %and3A_19 : i32 to vector<2048x1xi32>
    %and3A_21 = arith.andi %shift_right_arithmetic3A_18, %and3A_20 : vector<2048x1xi32>
    %eq3A_22 = arith.constant 1 : i32
    %eq3A_23 = vector.broadcast %eq3A_22 : i32 to vector<2048x1xi32>
    %eq3A_24 = arith.cmpi eq, %and3A_21, %eq3A_23 : vector<2048x1xi32>
    %and3A_25 = arith.constant -65536 : i32
    %and3A_26 = vector.broadcast %and3A_25 : i32 to vector<2048x64xi32>
    %and3A_27 = arith.andi %select_n3A, %and3A_26 : vector<2048x64xi32>
    %shift_left3A = arith.constant 16 : i32
    %shift_left3A_28 = vector.broadcast %shift_left3A : i32 to vector<2048x64xi32>
    %shift_left3A_29 = arith.shli %select_n3A, %shift_left3A_28 : vector<2048x64xi32>
    %broadcast_in_dim3A_30 = vector.shape_cast %eq3A_24 : vector<2048x1xi1> to vector<2048x1xi1>
    %broadcast_in_dim3A_31 = vector.broadcast %broadcast_in_dim3A_30 : vector<2048x1xi1> to vector<2048x64xi1>
    %select_n3A_32 = arith.select %broadcast_in_dim3A_31, %and3A_27, %shift_left3A_29 : vector<2048x64xi1>, vector<2048x64xi32>
    %bitcast_convert_type3A_33 = tpu.bitcast %select_n3A_32 : vector<2048x64xi32> -> vector<2048x64xf32>
    %and3A_34 = arith.constant 127 : i32
    %and3A_35 = vector.broadcast %and3A_34 : i32 to vector<2048x1xi32>
    %and3A_36 = arith.andi %get3A_3, %and3A_35 : vector<2048x1xi32>
    %iota3A = tpu.iota {dimensions = array<i32: 1>} : vector<2048x128xi32>
    %eq3A_37 = vector.broadcast %and3A_36 : vector<2048x1xi32> to vector<2048x128xi32>
    %eq3A_38 = arith.cmpi eq, %iota3A, %eq3A_37 : vector<2048x128xi32>
    %get3A_39 = arith.constant 0 : index
    %get3A_40 = arith.constant 0 : index
    %get3A_41 = vector.load %arg9[%get3A_39, %get3A_40] : memref<2048x128xf32, #tpu.memory_space<vmem>>, vector<2048x128xf32>
    %jit3A = arith.constant 0.000000e+00 : f32
    %broadcast_in_dim3A_42 = vector.broadcast %jit3A : f32 to vector<2048x128xf32>
    %select_n3A_43 = arith.select %eq3A_38, %get3A_41, %broadcast_in_dim3A_42 : vector<2048x128xi1>, vector<2048x128xf32>
    %reduce_sum3A = arith.constant dense<0.000000e+00> : vector<2048xf32>
    %reduce_sum3A_44 = vector.multi_reduction <add>, %select_n3A_43, %reduce_sum3A [1] : vector<2048x128xf32> to vector<2048xf32>
    %broadcast_in_dim3A_45 = vector.shape_cast %reduce_sum3A_44 : vector<2048xf32> to vector<2048x1xf32>
    %get3A_46 = arith.constant 0 : index
    %get3A_47 = arith.constant 0 : index
    %get3A_48 = vector.load %arg1[%get3A_46, %get3A_47] : memref<2048x256xf32, #tpu.memory_space<vmem>>, vector<2048x256xf32>
    %get3A_49 = arith.constant 0 : index
    %get3A_50 = arith.constant 0 : index
    %get3A_51 = vector.load %arg12[%get3A_49, %get3A_50] : memref<256x64xf32, #tpu.memory_space<vmem>>, vector<256x64xf32>
    %dot_general3A = arith.constant dense<0.000000e+00> : vector<2048x64xf32>
    %dot_general3A_52 = tpu.matmul %get3A_48, %get3A_51, %dot_general3A {dimension_numbers = #tpu.dot_dimension_numbers<[1], [0], [0], [1], [0, 0, 1, 1], [], []>, transpose_lhs_hint = false} : vector<2048x256xf32>, vector<256x64xf32>, vector<2048x64xf32> -> vector<2048x64xf32>
    %get3A_53 = arith.constant 0 : index
    %get3A_54 = arith.constant 0 : index
    %get3A_55 = vector.load %arg13[%get3A_53, %get3A_54] : memref<1x64xf32, #tpu.memory_space<vmem>>, vector<1x64xf32>
    %add3A = vector.broadcast %get3A_55 : vector<1x64xf32> to vector<2048x64xf32>
    %add3A_56 = arith.addf %dot_general3A_52, %add3A : vector<2048x64xf32>
    %mul3A = arith.mulf %add3A_56, %bitcast_convert_type3A_33 : vector<2048x64xf32>
    %reduce_sum3A_57 = arith.constant dense<0.000000e+00> : vector<2048xf32>
    %reduce_sum3A_58 = vector.multi_reduction <add>, %mul3A, %reduce_sum3A_57 [1] : vector<2048x64xf32> to vector<2048xf32>
    %broadcast_in_dim3A_59 = vector.shape_cast %reduce_sum3A_58 : vector<2048xf32> to vector<2048x1xf32>
    %add3A_60 = arith.addf %broadcast_in_dim3A_59, %broadcast_in_dim3A_45 : vector<2048x1xf32>
    %logistic3A = arith.negf %add3A_60 : vector<2048x1xf32>
    %logistic3A_61 = math.exp %logistic3A : vector<2048x1xf32>
    %logistic3A_62 = arith.constant 1.000000e+00 : f32
    %logistic3A_63 = vector.broadcast %logistic3A_62 : f32 to vector<2048x1xf32>
    %logistic3A_64 = arith.addf %logistic3A_63, %logistic3A_61 : vector<2048x1xf32>
    %logistic3A_65 = arith.divf %logistic3A_63, %logistic3A_64 : vector<2048x1xf32>
    %transpose3A = tpu.transpose %logistic3A_65, [1, 0] : vector<2048x1xf32> -> vector<1x2048xf32>
    %swap3A = arith.constant 0 : index
    %swap3A_66 = arith.constant 0 : index
    %swap3A_67 = vector.load %arg11[%swap3A, %swap3A_66] : memref<1x2048xf32, #tpu.memory_space<vmem>>, vector<1x2048xf32>
    tpu.vector_store %arg11[%swap3A, %swap3A_66], %transpose3A {strides = array<i32>} : memref<1x2048xf32, #tpu.memory_space<vmem>>, vector<1x2048xf32>,
    return
  }
  func.func @transform_0(%arg0: i32) -> (i32, i32) {
    %c0_i32 = arith.constant 0 : i32
    %c0_i32_0 = arith.constant 0 : i32
    return %arg0, %c0_i32 : i32, i32
  }
  func.func @transform_1(%arg0: i32) -> (i32, i32) {
    %c0_i32 = arith.constant 0 : i32
    %c0_i32_0 = arith.constant 0 : i32
    %c0_i32_1 = arith.constant 0 : i32
    return %c0_i32, %c0_i32_0 : i32, i32
  }
  func.func @transform_2(%arg0: i32) -> (i32, i32) {
    %c0_i32 = arith.constant 0 : i32
    %c0_i32_0 = arith.constant 0 : i32
    %c0_i32_1 = arith.constant 0 : i32
    return %c0_i32, %c0_i32_0 : i32, i32
  }
  func.func @transform_3(%arg0: i32) -> (i32, i32) {
    %c0_i32 = arith.constant 0 : i32
    %c0_i32_0 = arith.constant 0 : i32
    %c0_i32_1 = arith.constant 0 : i32
    return %c0_i32, %c0_i32_0 : i32, i32
  }
  func.func @transform_4(%arg0: i32) -> (i32, i32) {
    %c0_i32 = arith.constant 0 : i32
    %c0_i32_0 = arith.constant 0 : i32
    %c0_i32_1 = arith.constant 0 : i32
    return %c0_i32, %c0_i32_0 : i32, i32
  }
  func.func @transform_5(%arg0: i32) -> (i32, i32) {
    %c0_i32 = arith.constant 0 : i32
    %c0_i32_0 = arith.constant 0 : i32
    %c0_i32_1 = arith.constant 0 : i32
    return %c0_i32, %c0_i32_0 : i32, i32
  }
  func.func @transform_6(%arg0: i32) -> (i32, i32) {
    %c0_i32 = arith.constant 0 : i32
    %c0_i32_0 = arith.constant 0 : i32
    %c0_i32_1 = arith.constant 0 : i32
    return %c0_i32, %c0_i32_0 : i32, i32
  }
  func.func @transform_7(%arg0: i32) -> (i32, i32) {
    %c0_i32 = arith.constant 0 : i32
    %c0_i32_0 = arith.constant 0 : i32
    return %arg0, %c0_i32 : i32, i32
  }
  func.func @transform_8(%arg0: i32) -> (i32, i32) {
    %c0_i32 = arith.constant 0 : i32
    %c0_i32_0 = arith.constant 0 : i32
    return %arg0, %c0_i32 : i32, i32
  }
  func.func @transform_9(%arg0: i32) -> (i32, i32) {
    %c0_i32 = arith.constant 0 : i32
    %c0_i32_0 = arith.constant 0 : i32
    return %arg0, %c0_i32 : i32, i32
  }
  func.func @transform_10(%arg0: i32) -> (i32, i32) {
    %c0_i32 = arith.constant 0 : i32
    %c0_i32_0 = arith.constant 0 : i32
    return %c0_i32, %arg0 : i32, i32
  }
}

</mosaic_0001>

<sc_bundles>
// kernel: kernel.5.cloned.1.call-start
scs
__scs_entry_jumppad:
0x0: {  	(pc) =	sbr.rel $0x88, $3  }
0x1: {  	(tag) =	ssettag $0x0;
	lr =	simm.s32 $0x1  }
0x2: {  	[smem:$0x3F97] =	sst lr;
	_ =	strace $0xD0000000  }
0x3: {  	_ = 	snop  }
0x4: {  	_ = 	snop  }
0x5: {  	_ = 	snop  }
0x6: {  	_ = 	snop  }
0x7: {  	_ = 	snop  }
__scs_overlays_trampoline_lowered:
0x8: {  	[smem:$0x3FA6] =	sst s0  }
0x9: {  	[smem:$0x3FA7] =	sst s1  }
0xa: {  	[smem:$0x3FA8] =	sst s2  }
0xb: {  	[smem:$0x3FA9] =	sst s3  }
0xc: {  	[smem:$0x3FAA] =	sst s4  }
0xd: {  	[smem:$0x3FAB] =	sst s5  }
0xe: {  	[smem:$0x3FAC] =	sst s6  }
0xf: {  	[smem:$0x3FAD] =	sst s7  }
0x10: {  	[smem:$0x3FAE] =	sst s8  }
0x11: {  	[smem:$0x3FAF] =	sst s9;
	s0 =	simm.s32 @!p0 $0x0  }
0x12: {  	s1 =	sld [smem:$0x3F95];
	s0 =	simm.s32 @p0 $0x1  }
0x13: {  	[smem:$0x3FB0] =	sst s0;
	s0 =	simm.s32 @!p1 $0x0  }
0x14: {  	s2 =	sld [smem:$0x3F94];
	s0 =	simm.s32 @p1 $0x1  }
0x15: {  	[smem:$0x3FB1] =	sst s0;
	s0 =	simm.s32 @!p2 $0x0  }
0x16: {  	s3 =	sld [smem:$0x3FDB];
	s0 =	simm.s32 @p2 $0x1  }
0x17: {  	s4 =	simm.s32 $0x1BF5;
	[smem:$0x3FB3] =	sst s0  }
0x18: {  	s0 =	sld [smem:$0x3F96];
	_ =	swait.ge [sflag:s4], $0x0  }
0x19: {  	s7 =	sld [smem:$0x3F97]  }
0x1a: {  	s8 =	sadd.s32 $0xFFFFE003, lr  }
0x1b: {  	s9 =	sadd.s32 $0xFFFFFEF7, lr;
	s5 =	simm.s32 $0xFFFFFFFF;
	p2 =	slt.u32 s8, $0xFFFFF086  }
0x1c: {  	p1 =	slt.u32 s9, $0xF7A;
	s5 =	simm.s32 @!p2 $0x0  }
0x1d: {  	s5 =	simm.s32 @p1 $0x1;
	p0 =	seq.s32 s7, s2  }
0x1e: {  	s7 =	smul.u32 @!p0 $0xF7A, s2;
	p2 =	seq.s32 @!p0 s5, $0x0  }
0x1f: {  	s9 =	smul.u32 $0xF7A, s1;
	s8 =	simm.s32 @!p0 $0x1BF5;
	p2 =	por !p2, p0  }
0x20: {  	[sflag:s8] =	ssyncset.s32 @!p0 $0xFFFFF086;
	s6 =	sadd.s32 @!p0 s3, s7;
	s7 =	simm.s32 @!p0 $0x108  }
0x21: {  	s3 =	sadd.s32 s3, s9;
	s6 =	sadd.s32 @!p0 $0x88, s6;
	s7 =	simm.s32 @p2 $0x1082  }
0x22: {  	[simem:s7], [sflag:s8] =	dma.local @!p0 [hbm:s6], $0xF7A  }
0x23: {  	s9 =	sor.u32 $0xD0000000, s2;
	s6 =	simm.s32 $0x108;
	_ =	swait.ge @!p0 [sflag:s8], $0x0  }
0x24: {  	s3 =	sadd.s32 $0x88, s3;
	s6 =	simm.s32 @!p1 $0x1082;
	[sflag:s4] =	ssyncset.s32 $0xFFFFF086  }
0x25: {  	[simem:s6], [sflag:s4] =	dma.local [hbm:s3], $0xF7A  }
0x26: {  	[smem:$0x3F97] =	sst s1;
	(tag) =	ssettag s2;
	_ =	strace s9  }
0x27: {  	s1 =	sld [smem:$0x3FA7]  }
0x28: {  	s2 =	sld [smem:$0x3FA8]  }
0x29: {  	s4 =	sld [smem:$0x3FAA]  }
0x2a: {  	p0 =	seq.s32 s5, $0x0;
	s5 =	sld [smem:$0x3FAB]  }
0x2b: {  	s6 =	sld [smem:$0x3FAC]  }
0x2c: {  	s7 =	sld [smem:$0x3FAD]  }
0x2d: {  	s3 =	simm.s32 $0x108;
	s8 =	sld [smem:$0x3FAE]  }
0x2e: {  	s3 =	simm.s32 @!p0 $0x1082;
	s9 =	sld [smem:$0x3FAF]  }
0x2f: {  	lr =	sadd.s32 s0, s3;
	s0 =	sld [smem:$0x3FA6]  }
0x30: {  	s3 =	sld [smem:$0x3FA9]  }
0x31: {  	[smem:$0x3FB2] =	sst s10  }
0x32: {  	s10 =	sld [smem:$0x3FB0];
	_ =	sdelay $0x3  }
0x33: {  	p0 =	seq.s32 s10, $0x1;
	s10 =	sld [smem:$0x3FB2];
	_ =	sdelay $0x3  }
0x34: {  	[smem:$0x3FB2] =	sst s10  }
0x35: {  	s10 =	sld [smem:$0x3FB1];
	_ =	sdelay $0x3  }
0x36: {  	p1 =	seq.s32 s10, $0x1;
	s10 =	sld [smem:$0x3FB2];
	_ =	sdelay $0x3  }
0x37: {  	[smem:$0x3FB2] =	sst s10  }
0x38: {  	s10 =	sld [smem:$0x3FB3]  }
0x39: {  	_ = 	snop;
	(pc) =	sbr.ind lr, $3  }
0x3a: {  	_ = 	snop  }
0x3b: {  	_ = 	snop  }
0x3c: {  	p2 =	seq.s32 s10, $0x1;
	s10 =	sld [smem:$0x3FB2]  }
0x3d: {  	_ =	shalt  }
0x3e: {  	_ =	shalt  }
0x3f: {  	_ =	shalt  }
0x40: {  	_ =	shalt  }
0x41: {  	_ =	shalt  }
0x42: {  	_ =	shalt  }
0x43: {  	_ =	shalt  }
0x44: {  	_ =	shalt  }
0x45: {  	_ =	shalt  }
0x46: {  	_ =	shalt  }
0x47: {  	_ =	shalt  }
0x48: {  	_ =	shalt  }
0x49: {  	_ =	shalt  }
0x4a: {  	_ =	shalt  }
0x4b: {  	_ =	shalt  }
0x4c: {  	_ =	shalt  }
0x4d: {  	_ =	shalt  }
0x4e: {  	_ =	shalt  }
0x4f: {  	_ =	shalt  }
0x50: {  	_ =	shalt  }
0x51: {  	_ =	shalt  }
0x52: {  	_ =	shalt  }
0x53: {  	_ =	shalt  }
0x54: {  	_ =	shalt  }
0x55: {  	_ =	shalt  }
0x56: {  	_ =	shalt  }
0x57: {  	_ =	shalt  }
0x58: {  	_ =	shalt  }
0x59: {  	_ =	shalt  }
0x5a: {  	_ =	shalt  }
0x5b: {  	_ =	shalt  }
0x5c: {  	_ =	shalt  }
0x5d: {  	_ =	shalt  }
0x5e: {  	_ =	shalt  }
0x5f: {  	_ =	shalt  }
0x60: {  	_ =	shalt  }
0x61: {  	_ =	shalt  }
0x62: {  	_ =	shalt  }
0x63: {  	_ =	shalt  }
0x64: {  	_ =	shalt  }
0x65: {  	_ =	shalt  }
0x66: {  	_ =	shalt  }
0x67: {  	_ =	shalt  }
0x68: {  	_ =	shalt  }
0x69: {  	_ =	shalt  }
0x6a: {  	_ =	shalt  }
0x6b: {  	_ =	shalt  }
0x6c: {  	_ =	shalt  }
0x6d: {  	_ =	shalt  }
0x6e: {  	_ =	shalt  }
0x6f: {  	_ =	shalt  }
0x70: {  	_ =	shalt  }
0x71: {  	_ =	shalt  }
0x72: {  	_ =	shalt  }
0x73: {  	_ =	shalt  }
0x74: {  	_ =	shalt  }
0x75: {  	_ =	shalt  }
0x76: {  	_ =	shalt  }
0x77: {  	_ =	shalt  }
0x78: {  	_ =	shalt  }
0x79: {  	_ =	shalt  }
0x7a: {  	_ =	shalt  }
0x7b: {  	_ =	shalt  }
0x7c: {  	_ =	shalt  }
0x7d: {  	_ =	shalt  }
0x7e: {  	_ =	shalt  }
0x7f: {  	_ =	shalt  }
0x80: {  	_ =	shalt  }
0x81: {  	_ =	shalt  }
0x82: {  	_ =	shalt  }
0x83: {  	_ =	shalt  }
0x84: {  	_ =	shalt  }
0x85: {  	_ =	shalt  }
0x86: {  	_ =	shalt  }
0x87: {  	_ =	shalt  }
.Lfunc_end0:
.L_simem_size_0:
called_computation_lowered:
.L_overlay_start_0:
0x88: {  	s2 =	sld [smem:$0x3FD9]  }
0x89: {  	s3 =	sld [smem:$0x3FFE];
	_ =	sdelay $0x1  }
0x8a: {  	s1 =	srdreg.scid  }
0x8b: {  	s0 =	sand.u32 $0x1, s1  }
0x8c: {  	s17 =	sshll.u32 s0, $0xA;
	s2 =	sadd.s32 s3, s2  }
0x8d: {  	s2 =	sadd.s32 s2, s17  }
0x8e: {  	[smem:$0x3FBE] =	sst s2  }
0x8f: {  	_ = 	snop  }
0x90: {  	s2 =	sld [smem:$0x3FC9];
	(tm) =	ssettm $0x1  }
0x91: {  	s18 =	sld [smem:$0x3FFB];
	_ =	sdelay $0x3  }
0x92: {  	_ =	strace s18  }
0x93: {  	s3 =	sld [smem:$0x3FFC];
	_ =	sdelay $0x3  }
0x94: {  	_ =	strace s3  }
0x95: {  	s3 =	sld [smem:$0x3FFD];
	_ =	sdelay $0x3  }
0x96: {  	_ =	strace s3  }
0x97: {  	_ =	strace $0x8FFFFFFF  }
0x98: {  	s19 =	sld [smem:$0x3FDB];
	_ =	sdelay $0x1  }
0x99: {  	s4 =	simm.s32 $_scs_section_size  }
0x9a: {  	s5 =	simm.s32 $_size__tile_overlayer_lowered;
	s6 =	simm.s32 $_tile_overlayer_lowered  }
0x9b: {  	s22 =	simm.s32 $0x1BFF;
	s21 =	sshll.u32 s6, $0x1;
	s3 =	sadd.s32 s4, s19  }
0x9c: {  	s7 =	simm.s32 $0x0;
	s20 =	sshll.u32 s5, $0x1;
	s5 =	sadd.s32 s21, s3  }
0x9d: {  	[timem:s7], [sflag:s22] =	dma.local [hbm:s5], s20  }
0x9e: {  	_ =	swait.ge [sflag:s22], s20  }
0x9f: {  	s4 =	ssub.s32 $0x0, s20;
	[sflag:s22] =	ssyncset.done $0x0  }
0xa0: {  	[sflag:s22] =	ssyncadd.s32 s4;
	_ =	sdelay $0x1  }
0xa1: {  	s23 =	simm.s32 $0x1B8B  }
0xa2: {  	_ =	swait.ge [sflag:s23], $0x1  }
0xa3: {  	[sflag:s23] =	ssyncset.done $0x0  }
0xa4: {  	s25 =	simm.s32 $0x1B8E;
	s24 =	sld [smem:$0x3FFE];
	[sflag:s23] =	ssyncadd.s32 $0xFFFFFFFF  }
0xa5: {  	s26 =	simm.s32 $execute0_lowered;
	[smem:$0x3FD2] =	sst s25  }
0xa6: {  	s5 =	sshll.u32 s26, $0x1;
	_ =	strace $0x80000046;
	[dreg:$0x1] =	wrdreg $0xFFFFFFFF  }
0xa7: {  	s28 =	simm.s32 $_size_execute0_lowered;
	s3 =	sadd.s32 s3, s5;
	[dreg:$0x0] =	wrdreg $0x0  }
0xa8: {  	s5 =	sshll.u32 s28, $0x1;
	[dreg:$0x2] =	wrdreg s3  }
0xa9: {  	[dreg:$0x3] =	wrdreg s5  }
0xaa: {  	[dreg:$0x4] =	wrdreg $0xC0  }
0xab: {  	_ =	task [dreg:s7], $0x5FFFF  }
0xac: {  	[dreg:$0x1] =	wrdreg $0xFFFFFFFF  }
0xad: {  	[dreg:$0x0] =	wrdreg $0x60  }
0xae: {  	[dreg:$0x2] =	wrdreg s2  }
0xaf: {  	[dreg:$0x3] =	wrdreg s24  }
0xb0: {  	[dreg:$0x4] =	wrdreg $0x9  }
0xb1: {  	_ =	task.clear_ibuf [dreg:s7], $0x5FFFF;
	_ =	strace $0x90000046  }
0xb2: {  	s29 =	simm.s32 $0x9;
	_ =	strace $0x80000048  }
0xb3: {  	_ =	swait.ge [sflag:s29], $0x1  }
0xb4: {  	[sflag:s29] =	ssyncadd.s32 $0xFFFFFFFF  }
0xb5: {  	_ =	strace $0x90000048  }
0xb6: {  	_ =	sfence  }
0xb7: {  	s30 =	sld [smem:$0x0];
	_ =	sdelay $0x2  }
0xb8: {  	s31 =	sshll.u32 s1, $0xD;
	s1 =	sshrl.u32 s1, $0x2  }
0xb9: {  	s3 =	sand.u32 $0x4000, s31;
	s1 =	sadd.s32 s1, s30  }
0xba: {  	s0 =	sor.u32 s3, s0;
	s1 =	sshll.u32 s1, $0x11  }
0xbb: {  	s0 =	sor.u32 s1, s0  }
0xbc: {  	s0 =	sadd.s32 $0x8F2B, s0  }
0xbd: {  	[sflag:s0] =	ssyncadd.remote.s32 $0x1  }
0xbe: {  	_ =	sfence.sel $0xFFFF  }
0xbf: {  	[dreg:$0x0] =	wrdreg $0xFFFFFFFF;
	(pc) =	sbr.abs _section_cstart, $3  }
0xc0: {  	[dreg:$0x1] =	wrdreg $0xFFFFFFFF  }
0xc1: {  	_ =	task.clear_ibuf [dreg:s7], $0x2FFFF;
	_ =	strace $0x9FFFFFFF  }
0xc2: {  	(tm) =	ssettm $0x7FFFFFFF  }
0xc3: {  	_ =	shalt  }
tec
execute0_lowered:
.L_overlay_start_1:
0x0: {  	(tag) =	ssettag $0x1  }
0x1: {  	s5 =	rddreg [dreg:$0x0]  }
0x2: {  	s6 =	rddreg [dreg:$0x1]  }
0x3: {  	s0 =	rddreg [dreg:$0x2];
	s2 =	simm.s32 $0x0;
	s3 =	srdreg.scid  }
0x4: {  	s1 =	stileid.u32;
	s11 =	simm.s32 $0x600;
	s12 =	simm.s32 $0x1  }
0x5: {  	s13 =	simm.s32 $0x400;
	[smem:$0x7FF] =	sst s2;
	s4 =	sand.u32 $0x1, s3  }
0x6: {  	s7 =	sshll.u32 s1, $0xA;
	s3 =	sadd.s32 $0x2000, s6;
	s8 =	sshll.u32 s4, $0x9  }
0x7: {  	_ =	strace $0x80000047;
	s30 =	ssub.s32 $0x2, s4;
	s7 =	sor.u32 s8, s7  }
0x8: {  	s4 =	sadd.s32 $0x3E2000, s6;
	s10 =	sshrl.u32 s30, $0x1;
	s9 =	sshll.u32 s7, $0x4  }
0x9: {  	s8 =	ssub.s32 s30, s10;
	s31 =	sshrl.u32 s7, $0x3;
	s10 =	simm.s32 $0x200  }
0xa: {  	s9 =	sadd.s32 s9, s6;
	s5 =	sadd.s32 s5, s31;
	s8 =	smax.u32 s8, $0x1  }
0xb: {  	s6 =	sadd.s32 $0x401000, s9;
	s7 =	sadd.s32 $0x441000, s9;
	s9 =	simm.s32 $0x2  }
.LBB2_1:
0xc: {  	[tilespmem:s2], [sflag:$0x2] =	stream.linear.gather [hbm4b:s5+s2], $0x200, $0x38;
	[tilespmem:$0x10600] =	vst v63  }
0xd: {  	_ =	swait.ge [sflag:s9], $0x200  }
0xe: {  	[sflag:s9] =	ssyncset.done $0x0  }
0xf: {  	[sflag:s9] =	ssyncadd.s32 $0xFFFFFE00  }
0x10: {  	v0 =	vld [tilespmem:$0x0]  }
0x11: {  	v1 =	vld [tilespmem:$0x10]  }
0x12: {  	v2 =	vld [tilespmem:$0x20]  }
0x13: {  	v5 =	vld [tilespmem:$0x30]  }
0x14: {  	v6 =	vld [tilespmem:$0x40]  }
0x15: {  	v30 =	vld [tilespmem:$0x50];
	v3 =	vshra.s32 v0, $0x2;
	v4 =	vand.u32 $0xFFF, v0;
	v0 =	vshra.s32 v0, $0x7  }
0x16: {  	v35 =	vld [tilespmem:$0x60];
	v27 =	vshra.s32 v1, $0x7;
	[tilespmem:$0x400] =	vst v0  }
0x17: {  	v40 =	vld [tilespmem:$0x70];
	v33 =	vshra.s32 v2, $0x7;
	[tilespmem:$0x410] =	vst v27  }
0x18: {  	v45 =	vld [tilespmem:$0x80];
	v38 =	vshra.s32 v5, $0x7;
	[tilespmem:$0x420] =	vst v33  }
0x19: {  	v50 =	vld [tilespmem:$0x90];
	v43 =	vshra.s32 v6, $0x7;
	[tilespmem:$0x430] =	vst v38  }
0x1a: {  	v55 =	vld [tilespmem:$0xA0];
	v48 =	vshra.s32 v30, $0x7;
	[tilespmem:$0x440] =	vst v43  }
0x1b: {  	v15 =	vld [tilespmem:$0xD0];
	v53 =	vshra.s32 v35, $0x7;
	[tilespmem:$0x450] =	vst v48  }
0x1c: {  	v20 =	vld [tilespmem:$0xE0];
	v58 =	vshra.s32 v40, $0x7;
	[tilespmem:$0x460] =	vst v53  }
0x1d: {  	v63 =	vshra.s32 v45, $0x7;
	[tilespmem:$0x470] =	vst v58  }
0x1e: {  	v22 =	vshra.s32 v1, $0x2;
	v13 =	vshra.s32 v50, $0x7;
	[tilespmem:$0x480] =	vst v63  }
0x1f: {  	v24 =	vand.u32 $0xFFF, v1;
	v26 =	vshra.s32 v2, $0x2;
	v18 =	vshra.s32 v55, $0x7;
	[tilespmem:$0x490] =	vst v13  }
0x20: {  	v29 =	vand.u32 $0xFFF, v2;
	v32 =	vshra.s32 v5, $0x2;
	[tilespmem:$0x4A0] =	vst v18;
	v33 =	vshra.s32 v15, $0x7  }
0x21: {  	v60 =	vld [tilespmem:$0xB0];
	v34 =	vand.u32 $0xFFF, v5;
	v3 =	vand.u32 $0xFFFFF000, v3;
	v38 =	vshra.s32 v20, $0x7;
	[tilespmem:$0x4D0] =	vst v33  }
0x22: {  	v10 =	vld [tilespmem:$0xC0];
	v37 =	vshra.s32 v6, $0x2;
	v23 =	vand.u32 $0xFFFFF000, v22;
	v3 =	vor.u32 v4, v3;
	[tilespmem:$0x4E0] =	vst v38  }
0x23: {  	v39 =	vand.u32 $0xFFF, v6;
	v28 =	vand.u32 $0xFFFFF000, v26;
	v25 =	vor.u32 v24, v23;
	[tilespmem:$0x200] =	vst v3  }
0x24: {  	v42 =	vshra.s32 v30, $0x2;
	v1 =	vand.u32 $0xFFFFF000, v32;
	v31 =	vor.u32 v29, v28;
	[tilespmem:$0x210] =	vst v25  }
0x25: {  	v44 =	vand.u32 $0xFFF, v30;
	v47 =	vshra.s32 v35, $0x2;
	v36 =	vor.u32 v34, v1;
	[tilespmem:$0x220] =	vst v31  }
0x26: {  	v49 =	vand.u32 $0xFFF, v35;
	v52 =	vshra.s32 v40, $0x2;
	v30 =	vld [tilespmem:$0x100];
	v23 =	vshra.s32 v60, $0x7;
	[tilespmem:$0x230] =	vst v36  }
0x27: {  	v54 =	vand.u32 $0xFFF, v40;
	v35 =	vld [tilespmem:$0x110];
	v1 =	vand.u32 $0xFFFFF000, v37;
	v28 =	vshra.s32 v10, $0x7;
	[tilespmem:$0x4B0] =	vst v23  }
0x28: {  	v57 =	vshra.s32 v45, $0x2;
	v40 =	vld [tilespmem:$0x120];
	v41 =	vor.u32 v39, v1;
	v1 =	vand.u32 $0xFFFFF000, v42;
	[tilespmem:$0x4C0] =	vst v28  }
0x29: {  	v59 =	vand.u32 $0xFFF, v45;
	v45 =	vld [tilespmem:$0x130];
	[tilespmem:$0x240] =	vst v41;
	v46 =	vor.u32 v44, v1;
	v1 =	vand.u32 $0xFFFFF000, v47  }
0x2a: {  	[tilespmem:$0x250] =	vst v46;
	v51 =	vor.u32 v49, v1  }
0x2b: {  	v48 =	vshra.s32 v30, $0x7;
	[tilespmem:$0x260] =	vst v51  }
0x2c: {  	v53 =	vshra.s32 v35, $0x7;
	[tilespmem:$0x500] =	vst v48  }
0x2d: {  	v62 =	vshra.s32 v50, $0x2;
	v25 =	vld [tilespmem:$0xF0];
	v58 =	vshra.s32 v40, $0x7;
	[tilespmem:$0x510] =	vst v53  }
0x2e: {  	v9 =	vand.u32 $0xFFF, v50;
	v50 =	vld [tilespmem:$0x140];
	v1 =	vand.u32 $0xFFFFF000, v52;
	v63 =	vshra.s32 v45, $0x7;
	[tilespmem:$0x520] =	vst v58  }
0x2f: {  	v12 =	vshra.s32 v55, $0x2;
	v56 =	vor.u32 v54, v1;
	v1 =	vand.u32 $0xFFFFF000, v57;
	[tilespmem:$0x530] =	vst v63  }
0x30: {  	v14 =	vand.u32 $0xFFF, v55;
	v55 =	vld [tilespmem:$0x150];
	[tilespmem:$0x270] =	vst v56;
	v61 =	vor.u32 v59, v1;
	v1 =	vand.u32 $0xFFFFF000, v62  }
0x31: {  	[tilespmem:$0x280] =	vst v61;
	v11 =	vor.u32 v9, v1  }
0x32: {  	v17 =	vshra.s32 v60, $0x2;
	v19 =	vand.u32 $0xFFF, v60;
	v60 =	vld [tilespmem:$0x160];
	v43 =	vshra.s32 v25, $0x7;
	[tilespmem:$0x290] =	vst v11  }
0x33: {  	v1 =	vand.u32 $0xFFFFF000, v12;
	v12 =	vshra.s32 v50, $0x7;
	[tilespmem:$0x4F0] =	vst v43  }
0x34: {  	v16 =	vor.u32 v14, v1;
	[tilespmem:$0x540] =	vst v12  }
0x35: {  	v22 =	vshra.s32 v10, $0x2;
	v1 =	vand.u32 $0xFFFFF000, v17;
	v17 =	vshra.s32 v55, $0x7;
	[tilespmem:$0x2A0] =	vst v16  }
0x36: {  	v27 =	vshra.s32 v15, $0x2;
	v32 =	vshra.s32 v20, $0x2;
	v9 =	vld [tilespmem:$0x170];
	v21 =	vor.u32 v19, v1;
	[tilespmem:$0x550] =	vst v17  }
0x37: {  	v24 =	vand.u32 $0xFFF, v10;
	v1 =	vand.u32 $0xFFFFF000, v22;
	v22 =	vshra.s32 v60, $0x7;
	[tilespmem:$0x2B0] =	vst v21  }
0x38: {  	v29 =	vand.u32 $0xFFF, v15;
	v14 =	vld [tilespmem:$0x180];
	v26 =	vor.u32 v24, v1;
	v1 =	vand.u32 $0xFFFFF000, v27;
	[tilespmem:$0x560] =	vst v22  }
0x39: {  	v34 =	vand.u32 $0xFFF, v20;
	[tilespmem:$0x2C0] =	vst v26;
	v31 =	vor.u32 v29, v1;
	v1 =	vand.u32 $0xFFFFF000, v32  }
0x3a: {  	v37 =	vshra.s32 v25, $0x2;
	v19 =	vld [tilespmem:$0x190];
	[tilespmem:$0x2D0] =	vst v31;
	v36 =	vor.u32 v34, v1  }
0x3b: {  	v39 =	vand.u32 $0xFFF, v25;
	v1 =	vand.u32 $0xFFFFF000, v37;
	v27 =	vshra.s32 v9, $0x7;
	[tilespmem:$0x2E0] =	vst v36  }
0x3c: {  	v42 =	vshra.s32 v30, $0x2;
	v44 =	vand.u32 $0xFFF, v30;
	v24 =	vld [tilespmem:$0x1A0];
	v41 =	vor.u32 v39, v1;
	[tilespmem:$0x570] =	vst v27  }
0x3d: {  	v47 =	vshra.s32 v35, $0x2;
	v1 =	vand.u32 $0xFFFFF000, v42;
	v32 =	vshra.s32 v14, $0x7;
	[tilespmem:$0x2F0] =	vst v41  }
0x3e: {  	v49 =	vand.u32 $0xFFF, v35;
	v52 =	vshra.s32 v40, $0x2;
	v29 =	vld [tilespmem:$0x1B0];
	v46 =	vor.u32 v44, v1;
	[tilespmem:$0x580] =	vst v32  }
0x3f: {  	v8 =	vand.u32 $0xFFF, v50;
	v1 =	vand.u32 $0xFFFFF000, v47;
	v37 =	vshra.s32 v19, $0x7;
	[tilespmem:$0x300] =	vst v46  }
0x40: {  	v13 =	vand.u32 $0xFFF, v55;
	v54 =	vand.u32 $0xFFF, v40;
	v34 =	vld [tilespmem:$0x1C0];
	v51 =	vor.u32 v49, v1;
	[tilespmem:$0x590] =	vst v37  }
0x41: {  	v57 =	vshra.s32 v45, $0x2;
	v1 =	vand.u32 $0xFFFFF000, v52;
	v42 =	vshra.s32 v24, $0x7;
	[tilespmem:$0x310] =	vst v51  }
0x42: {  	v59 =	vand.u32 $0xFFF, v45;
	v62 =	vshra.s32 v50, $0x2;
	v39 =	vld [tilespmem:$0x1D0];
	v56 =	vor.u32 v54, v1;
	[tilespmem:$0x5A0] =	vst v42  }
0x43: {  	v18 =	vand.u32 $0xFFF, v60;
	v1 =	vand.u32 $0xFFFFF000, v57;
	v47 =	vshra.s32 v29, $0x7;
	[tilespmem:$0x320] =	vst v56  }
0x44: {  	v11 =	vshra.s32 v55, $0x2;
	v16 =	vshra.s32 v60, $0x2;
	v44 =	vld [tilespmem:$0x1E0];
	v61 =	vor.u32 v59, v1;
	[tilespmem:$0x5B0] =	vst v47  }
0x45: {  	v21 =	vshra.s32 v9, $0x2;
	v1 =	vand.u32 $0xFFFFF000, v62;
	v52 =	vshra.s32 v34, $0x7;
	[tilespmem:$0x330] =	vst v61  }
0x46: {  	v23 =	vand.u32 $0xFFF, v9;
	v26 =	vshra.s32 v14, $0x2;
	v49 =	vld [tilespmem:$0x1F0];
	v10 =	vor.u32 v8, v1;
	[tilespmem:$0x5C0] =	vst v52  }
0x47: {  	v28 =	vand.u32 $0xFFF, v14;
	v1 =	vand.u32 $0xFFFFF000, v11;
	v56 =	vshra.s32 v39, $0x7;
	[tilespmem:$0x340] =	vst v10  }
0x48: {  	v31 =	vshra.s32 v19, $0x2;
	v33 =	vand.u32 $0xFFF, v19;
	v15 =	vor.u32 v13, v1;
	[tilespmem:$0x5D0] =	vst v56  }
0x49: {  	v36 =	vshra.s32 v24, $0x2;
	v1 =	vand.u32 $0xFFFFF000, v16;
	v60 =	vshra.s32 v44, $0x7;
	[tilespmem:$0x350] =	vst v15  }
0x4a: {  	v38 =	vand.u32 $0xFFF, v24;
	v41 =	vshra.s32 v29, $0x2;
	v20 =	vor.u32 v18, v1;
	[tilespmem:$0x5E0] =	vst v60  }
0x4b: {  	v43 =	vand.u32 $0xFFF, v29;
	v1 =	vand.u32 $0xFFFFF000, v21;
	v63 =	vshra.s32 v49, $0x7;
	[tilespmem:$0x360] =	vst v20  }
0x4c: {  	v46 =	vshra.s32 v34, $0x2;
	v25 =	vor.u32 v23, v1;
	v1 =	vand.u32 $0xFFFFF000, v26;
	[tilespmem:$0x5F0] =	vst v63  }
0x4d: {  	v48 =	vand.u32 $0xFFF, v34;
	[tilespmem:$0x370] =	vst v25;
	v30 =	vor.u32 v28, v1;
	v1 =	vand.u32 $0xFFFFF000, v31  }
0x4e: {  	v51 =	vshra.s32 v39, $0x2;
	[tilespmem:$0x380] =	vst v30;
	v35 =	vor.u32 v33, v1;
	v1 =	vand.u32 $0xFFFFF000, v36  }
0x4f: {  	v53 =	vand.u32 $0xFFF, v39;
	[tilespmem:$0x390] =	vst v35;
	v40 =	vor.u32 v38, v1;
	v1 =	vand.u32 $0xFFFFF000, v41  }
0x50: {  	v55 =	vshra.s32 v44, $0x2;
	[tilespmem:$0x3A0] =	vst v40;
	v45 =	vor.u32 v43, v1;
	v1 =	vand.u32 $0xFFFFF000, v46  }
0x51: {  	v57 =	vand.u32 $0xFFF, v44;
	[tilespmem:$0x3B0] =	vst v45;
	v50 =	vor.u32 v48, v1;
	v1 =	vand.u32 $0xFFFFF000, v51  }
0x52: {  	v59 =	vshra.s32 v49, $0x2;
	[tilespmem:$0x3C0] =	vst v50;
	v54 =	vor.u32 v53, v1;
	v1 =	vand.u32 $0xFFFFF000, v55  }
0x53: {  	v61 =	vand.u32 $0xFFF, v49;
	[tilespmem:$0x3D0] =	vst v54;
	v58 =	vor.u32 v57, v1;
	v1 =	vand.u32 $0xFFFFF000, v59  }
0x54: {  	[tilespmem:$0x3E0] =	vst v58;
	v62 =	vor.u32 v61, v1  }
0x55: {  	[tilespmem:$0x3F0] =	vst v62  }
0x56: {  	[tilespmem:s11], [sflag:$0x1] =	stream.indirect.gather [hbm4b:s3+s10], $0x80, s10, s10, $0xb8;
	[tilespmem:$0x10600] =	vst v63  }
0x57: {  	_ =	swait.ge [sflag:s12], $0x10000  }
0x58: {  	[sflag:s12] =	ssyncset.done $0x0  }
0x59: {  	[sflag:s12] =	ssyncadd.s32 $0xFFFF0000  }
0x5a: {  	[hbm4b:s6+s2] =	stream.linear.scatter [tilespmem:s11], [sflag:$0x2], $0x10000, $0x38;
	[tilespmem:$0x10600] =	vst v63  }
0x5b: {  	_ =	swait.ge [sflag:s9], $0x10000  }
0x5c: {  	[sflag:s9] =	ssyncset.done $0x0  }
0x5d: {  	[sflag:s9] =	ssyncadd.s32 $0xFFFF0000  }
0x5e: {  	[tilespmem:s11], [sflag:$0x1] =	stream.indirect.gather [hbm4b:s4+s10], $0x80, s13, s10, $0xb8;
	[tilespmem:$0x10600] =	vst v63  }
0x5f: {  	_ =	swait.ge [sflag:s12], $0x10000  }
0x60: {  	p0 =	sne.s32 s8, $0x1;
	[sflag:s12] =	ssyncset.done $0x0  }
.Ltmp0:
0x61: {  	[sflag:s12] =	ssyncadd.s32 $0xFFFF0000;
	(pc) =	sbr.rel @p0 .LBB2_1-.Ltmp0, $4  }
0x62: {  	[hbm4b:s7+s2] =	stream.linear.scatter [tilespmem:s11], [sflag:$0x2], $0x10000, $0x38;
	[tilespmem:$0x10600] =	vst v63  }
0x63: {  	_ =	swait.ge [sflag:s9], $0x10000  }
0x64: {  	[sflag:s9] =	ssyncset.done $0x0  }
0x65: {  	s8 =	sadd.s32 $0xFFFFFFFF, s8;
	[sflag:s9] =	ssyncadd.s32 $0xFFFF0000  }
0x66: {  	_ =	sfence.sel $0x180000  }
0x67: {  	[bflag:$0x0] =	sbarrier.arrive $0xFFFF  }
0x68: {  	p0 =	sne.s32 s1, $0x0;
	_ =	strace $0x90000047  }
0x69: {  	s0 =	sadd.s32 @!p0 $0x100000, s0;
	[bflag:$0x2] =	sbarrier.arrive $0xFFFF  }
0x6a: {  	[sflag:s0] =	ssyncadd.tile.s32 @!p0 $0x1;
	_ =	shalt  }
.Lfunc_end2:
_tile_overlayer_lowered:
.L_overlay_start_2:
0x6b: {  	(tag) =	ssettag $0x2  }
0x6c: {  	s0 =	rddreg [dreg:$0x0];
	s2 =	stileid.u32  }
0x6d: {  	s1 =	rddreg [dreg:$0x1];
	p0 =	sne.s32 s2, $0x0  }
0x6e: {  	s3 =	rddreg [dreg:$0x2];
	[bflag:$0x3] =	sbarrier.arrive $0xFFFF;
	s2 =	simm.s32 @!p0 $0x1C02  }
0x6f: {  	[timem:s3], [sflag:s2] =	dma.local @!p0 [hbm:s0], s1  }
0x70: {  	s0 =	simm.s32 @!p0 $0x2  }
0x71: {  	_ =	swait.ge @!p0 [sflag:s0], s1  }
0x72: {  	s1 =	ssub.s32 @!p0 $0x0, s1;
	[sflag:s0] =	ssyncset.done @!p0 $0x0  }
0x73: {  	[sflag:s0] =	ssyncadd.s32 @!p0 s1  }
0x74: {  	[bflag:$0x3] =	sbarrier.arrive $0xFFFF  }
0x75: {  	_ =	shalt  }

</sc_bundles>
